<compile_context>
chip_gen: v7x
topology: tpu7x:2x2x1
jax: 0.10.2.dev20260603
libtpu: 0.0.44.dev20260713+nightly
codegen_flags: <defaults>
</compile_context>

<pallas_src>
import functools

import jax
import jax.numpy as jnp
from jax import lax
from jax.experimental import pallas as pl
from jax.experimental.pallas import tpu as pltpu
from jax.experimental.pallas import tpu_sc as plsc

N_ROWS = 16384
DIM = 128
LANES = 16
SUBCH = DIM // LANES

NUM_CORES = 2
NUM_SUBCORES = 16
NUM_WORKERS = NUM_CORES * NUM_SUBCORES
ROWS_PER_W = N_ROWS // NUM_WORKERS
CHUNK = 128
N_CHUNKS = ROWS_PER_W // CHUNK
GROUPS = CHUNK // LANES
TSTRIDE = LANES + 1


def _tree_sum(vals):
    while len(vals) > 1:
        vals = [a + b for a, b in zip(vals[0::2], vals[1::2])]
    return vals[0]


@functools.partial(
    pl.kernel,
    mesh=plsc.VectorSubcoreMesh(core_axis_name="c", subcore_axis_name="s"),
    out_type=jax.ShapeDtypeStruct((N_ROWS,), jnp.float32),
    scratch_types=[
        pltpu.VMEM((CHUNK, DIM), jnp.float32),
        pltpu.VMEM((CHUNK, DIM), jnp.float32),
        pltpu.VMEM((CHUNK, DIM), jnp.float32),
        pltpu.VMEM((CHUNK, DIM), jnp.float32),
        pltpu.VMEM((ROWS_PER_W,), jnp.float32),
        pltpu.VMEM((LANES * TSTRIDE,), jnp.float32),
        pltpu.SemaphoreType.DMA,
        pltpu.SemaphoreType.DMA,
    ],
    compiler_params=pltpu.CompilerParams(needs_layout_passes=False),
)
def _pieckipe_sc(a_hbm, b_hbm, out_hbm, a0, a1, b0, b1, out_buf, tmp, sem0, sem1):
    wid = lax.axis_index("s") * NUM_CORES + lax.axis_index("c")
    base = wid * ROWS_PER_W
    lane = lax.iota(jnp.int32, 16)
    lane_t = lane * TSTRIDE

    a_bufs = (a0, a1)
    b_bufs = (b0, b1)
    sems = (sem0, sem1)

    def fire(chunk, slot):
        row0 = base + chunk * CHUNK
        ha = pltpu.async_copy(a_hbm.at[pl.ds(row0, CHUNK)], a_bufs[slot], sems[slot])
        hb = pltpu.async_copy(b_hbm.at[pl.ds(row0, CHUNK)], b_bufs[slot], sems[slot])
        return (ha, hb)

    def compute_chunk(chunk, slot):
        a_ref = a_bufs[slot]
        b_ref = b_bufs[slot]

        def group_body(g, carry, _a=a_ref, _b=b_ref):
            def row_body(rr, carry2, _a=_a, _b=_b, _g=g):
                r = _g * LANES + rr
                prods = []
                for c in range(SUBCH):
                    sl = pl.ds(c * LANES, LANES)
                    prods.append(_a[r, sl] * _b[r, sl])
                plsc.store_scatter(tmp, [lane_t + rr], _tree_sum(prods))
                return carry2

            lax.fori_loop(0, LANES, row_body, 0)
            cols = [tmp[pl.ds(l * TSTRIDE, LANES)] for l in range(LANES)]
            out_buf[pl.ds(chunk * CHUNK + g * LANES, LANES)] = _tree_sum(cols)
            return carry

        lax.fori_loop(0, GROUPS, group_body, 0)

    handles = [None] * N_CHUNKS
    handles[0] = fire(0, 0)
    for chunk in range(N_CHUNKS):
        if chunk + 1 < N_CHUNKS:
            handles[chunk + 1] = fire(chunk + 1, (chunk + 1) % 2)
        ha, hb = handles[chunk]
        ha.wait()
        hb.wait()
        compute_chunk(chunk, chunk % 2)
    pltpu.sync_copy(out_buf, out_hbm.at[pl.ds(base, ROWS_PER_W)])


def kernel(user_emb, items_emb):
    return _pieckipe_sc(user_emb, items_emb)

# --- scband reference (transcript-rebuilt; emitter-appended) ---
"""Pipeline reference for scband-pieckipe-32289564131807 (READ-ONLY COPY).

The authoritative reference and input builder live on the scoring server;
editing this copy changes nothing except your own understanding.
"""

import jax, jax.numpy as jnp
import numpy as np


def setup_inputs(seed: int = 0) -> dict:
    key = jax.random.key(seed)
    k1, k2 = jax.random.split(key)
    user_emb = jax.random.normal(k1, (16384, 128), dtype=jnp.float32)
    items_emb = jax.random.normal(k2, (16384, 128), dtype=jnp.float32)
    return {"user_emb": user_emb, "items_emb": items_emb}


def reference(user_emb, items_emb):
    # PIECKIPE.forward: scores = sum(user_emb * items_emb, dim=-1)
    scores = jnp.sum(user_emb * items_emb, axis=-1)
    return scores

if __name__ == "__main__":
    import jax
    _d = setup_inputs()
    print(jax.jit(kernel)(*tuple(_d.values())))

</pallas_src>

<mosaic_0001>
#map = affine_map<(d0, d1) -> (0, 0)>
#map1 = affine_map<(d0, d1) -> (0)>
module attributes {stable_mosaic.version = 14 : i64} {
  func.func @_pieckipe_sc(%arg0: i32, %arg1: i32, %arg2: memref<16384x128xf32, #tpu.memory_space<hbm>>, %arg3: memref<16384x128xf32, #tpu.memory_space<hbm>>, %arg4: memref<16384xf32, #tpu.memory_space<hbm>>, %arg5: memref<128x128xf32, #tpu.memory_space<vmem>>, %arg6: memref<128x128xf32, #tpu.memory_space<vmem>>, %arg7: memref<128x128xf32, #tpu.memory_space<vmem>>, %arg8: memref<128x128xf32, #tpu.memory_space<vmem>>, %arg9: memref<512xf32, #tpu.memory_space<vmem>>, %arg10: memref<272xf32, #tpu.memory_space<vmem>>, %arg11: memref<!tpu.dma_semaphore, #tpu.memory_space<semaphore_mem>>, %arg12: memref<!tpu.dma_semaphore, #tpu.memory_space<semaphore_mem>>) attributes {dimension_semantics = [#tpu.dimension_semantics<core_parallel>, #tpu.dimension_semantics<subcore_parallel>], iteration_bounds = array<i64: 2, 16>, scalar_prefetch = 0 : i64, scratch_operands = 8 : i64, tpu.core_type = #tpu.core_type<sc_vector_subcore>, window_params = [{transform_indices = #map}, {transform_indices = #map}, {transform_indices = #map1}]} {
    %mul3A = arith.constant 2 : i32
    %mul3A_0 = arith.muli %arg1, %mul3A : i32
    %add3A = arith.addi %mul3A_0, %arg0 : i32
    %mul3A_1 = arith.constant 512 : i32
    %mul3A_2 = arith.muli %add3A, %mul3A_1 : i32
    %iota3A = tpu.iota {dimensions = array<i32: 0>} : vector<16xi32>
    %mul3A_3 = arith.constant 17 : i32
    %mul3A_4 = vector.broadcast %mul3A_3 : i32 to vector<16xi32>
    %mul3A_5 = arith.muli %iota3A, %mul3A_4 : vector<16xi32>
    %add3A_6 = arith.constant 0 : i32
    %add3A_7 = arith.addi %mul3A_2, %add3A_6 : i32
    %dma_start3A = arith.constant 0 : i32
    %dma_start3A_8 = tpu.memref_slice %arg2[%add3A_7, %dma_start3A] : memref<16384x128xf32, #tpu.memory_space<hbm>> -> memref<128x128xf32, #tpu.memory_space<hbm>>
    %dma_start3A_9 = arith.constant 0 : i32
    %dma_start3A_10 = tpu.memref_slice %arg2[%add3A_7, %dma_start3A_9] : memref<16384x128xf32, #tpu.memory_space<hbm>> -> memref<128x128xf32, #tpu.memory_space<hbm>>
    tpu.enqueue_dma source(%dma_start3A_10 : memref<128x128xf32, #tpu.memory_space<hbm>>) target(%arg5 : memref<128x128xf32, #tpu.memory_space<vmem>>) target_semaphore(%arg11 : memref<!tpu.dma_semaphore, #tpu.memory_space<semaphore_mem>>)
    %dma_start3A_11 = arith.constant 0 : i32
    %dma_start3A_12 = tpu.memref_slice %arg3[%add3A_7, %dma_start3A_11] : memref<16384x128xf32, #tpu.memory_space<hbm>> -> memref<128x128xf32, #tpu.memory_space<hbm>>
    %dma_start3A_13 = arith.constant 0 : i32
    %dma_start3A_14 = tpu.memref_slice %arg3[%add3A_7, %dma_start3A_13] : memref<16384x128xf32, #tpu.memory_space<hbm>> -> memref<128x128xf32, #tpu.memory_space<hbm>>
    tpu.enqueue_dma source(%dma_start3A_14 : memref<128x128xf32, #tpu.memory_space<hbm>>) target(%arg7 : memref<128x128xf32, #tpu.memory_space<vmem>>) target_semaphore(%arg11 : memref<!tpu.dma_semaphore, #tpu.memory_space<semaphore_mem>>)
    %add3A_15 = arith.constant 128 : i32
    %add3A_16 = arith.addi %mul3A_2, %add3A_15 : i32
    %dma_start3A_17 = arith.constant 0 : i32
    %dma_start3A_18 = tpu.memref_slice %arg2[%add3A_16, %dma_start3A_17] : memref<16384x128xf32, #tpu.memory_space<hbm>> -> memref<128x128xf32, #tpu.memory_space<hbm>>
    %dma_start3A_19 = arith.constant 0 : i32
    %dma_start3A_20 = tpu.memref_slice %arg2[%add3A_16, %dma_start3A_19] : memref<16384x128xf32, #tpu.memory_space<hbm>> -> memref<128x128xf32, #tpu.memory_space<hbm>>
    tpu.enqueue_dma source(%dma_start3A_20 : memref<128x128xf32, #tpu.memory_space<hbm>>) target(%arg6 : memref<128x128xf32, #tpu.memory_space<vmem>>) target_semaphore(%arg12 : memref<!tpu.dma_semaphore, #tpu.memory_space<semaphore_mem>>)
    %dma_start3A_21 = arith.constant 0 : i32
    %dma_start3A_22 = tpu.memref_slice %arg3[%add3A_16, %dma_start3A_21] : memref<16384x128xf32, #tpu.memory_space<hbm>> -> memref<128x128xf32, #tpu.memory_space<hbm>>
    %dma_start3A_23 = arith.constant 0 : i32
    %dma_start3A_24 = tpu.memref_slice %arg3[%add3A_16, %dma_start3A_23] : memref<16384x128xf32, #tpu.memory_space<hbm>> -> memref<128x128xf32, #tpu.memory_space<hbm>>
    tpu.enqueue_dma source(%dma_start3A_24 : memref<128x128xf32, #tpu.memory_space<hbm>>) target(%arg8 : memref<128x128xf32, #tpu.memory_space<vmem>>) target_semaphore(%arg12 : memref<!tpu.dma_semaphore, #tpu.memory_space<semaphore_mem>>)
    %dma_wait3A = arith.constant 0 : i32
    %dma_wait3A_25 = tpu.memref_slice %arg2[%add3A_7, %dma_wait3A] : memref<16384x128xf32, #tpu.memory_space<hbm>> -> memref<128x128xf32, #tpu.memory_space<hbm>>
    %dma_wait3A_26 = arith.constant 0 : i32
    %dma_wait3A_27 = tpu.memref_slice %arg2[%add3A_7, %dma_wait3A_26] : memref<16384x128xf32, #tpu.memory_space<hbm>> -> memref<128x128xf32, #tpu.memory_space<hbm>>
    tpu.wait_dma2 semaphore(%arg11 : memref<!tpu.dma_semaphore, #tpu.memory_space<semaphore_mem>>) src(%dma_wait3A_27 : memref<128x128xf32, #tpu.memory_space<hbm>>) dst(%arg5 : memref<128x128xf32, #tpu.memory_space<vmem>>)
    %dma_wait3A_28 = arith.constant 0 : i32
    %dma_wait3A_29 = tpu.memref_slice %arg3[%add3A_7, %dma_wait3A_28] : memref<16384x128xf32, #tpu.memory_space<hbm>> -> memref<128x128xf32, #tpu.memory_space<hbm>>
    %dma_wait3A_30 = arith.constant 0 : i32
    %dma_wait3A_31 = tpu.memref_slice %arg3[%add3A_7, %dma_wait3A_30] : memref<16384x128xf32, #tpu.memory_space<hbm>> -> memref<128x128xf32, #tpu.memory_space<hbm>>
    tpu.wait_dma2 semaphore(%arg11 : memref<!tpu.dma_semaphore, #tpu.memory_space<semaphore_mem>>) src(%dma_wait3A_31 : memref<128x128xf32, #tpu.memory_space<hbm>>) dst(%arg7 : memref<128x128xf32, #tpu.memory_space<vmem>>)
    %scan3A = arith.constant 0 : i32
    %scan3A_32 = arith.constant 0 : i32
    %scan3A_33 = arith.constant 8 : i32
    %scan3A_34 = arith.addi %scan3A_32, %scan3A_33 : i32
    %scan3A_35 = arith.constant 1 : i32
    scf.for %scan3A_99 = %scan3A_32 to %scan3A_34 step %scan3A_35  : i32 {
      %scan3A_100 = arith.constant 0 : i32
      %scan3A_101 = arith.constant 0 : i32
      %scan3A_102 = arith.constant 16 : i32
      %scan3A_103 = arith.addi %scan3A_101, %scan3A_102 : i32
      %scan3A_104 = arith.constant 1 : i32
      scf.for %scan3A_157 = %scan3A_101 to %scan3A_103 step %scan3A_104  : i32 {
        %mul3A_158 = arith.constant 16 : i32
        %mul3A_159 = arith.muli %scan3A_99, %mul3A_158 : i32
        %add3A_160 = arith.addi %mul3A_159, %scan3A_157 : i32
        %get3A_161 = arith.index_cast %add3A_160 : i32 to index
        %get3A_162 = arith.constant 0 : index
        %get3A_163 = tpu.vector_load %arg5[%get3A_161, %get3A_162] {strides = array<i32>} : memref<128x128xf32, #tpu.memory_space<vmem>>, vector<16xf32>,
        %get3A_164 = arith.index_cast %add3A_160 : i32 to index
        %get3A_165 = arith.constant 0 : index
        %get3A_166 = tpu.vector_load %arg7[%get3A_164, %get3A_165] {strides = array<i32>} : memref<128x128xf32, #tpu.memory_space<vmem>>, vector<16xf32>,
        %mul3A_167 = arith.mulf %get3A_163, %get3A_166 : vector<16xf32>
        %get3A_168 = arith.index_cast %add3A_160 : i32 to index
        %get3A_169 = arith.constant 16 : index
        %get3A_170 = tpu.vector_load %arg5[%get3A_168, %get3A_169] {strides = array<i32>} : memref<128x128xf32, #tpu.memory_space<vmem>>, vector<16xf32>,
        %get3A_171 = arith.index_cast %add3A_160 : i32 to index
        %get3A_172 = arith.constant 16 : index
        %get3A_173 = tpu.vector_load %arg7[%get3A_171, %get3A_172] {strides = array<i32>} : memref<128x128xf32, #tpu.memory_space<vmem>>, vector<16xf32>,
        %mul3A_174 = arith.mulf %get3A_170, %get3A_173 : vector<16xf32>
        %get3A_175 = arith.index_cast %add3A_160 : i32 to index
        %get3A_176 = arith.constant 32 : index
        %get3A_177 = tpu.vector_load %arg5[%get3A_175, %get3A_176] {strides = array<i32>} : memref<128x128xf32, #tpu.memory_space<vmem>>, vector<16xf32>,
        %get3A_178 = arith.index_cast %add3A_160 : i32 to index
        %get3A_179 = arith.constant 32 : index
        %get3A_180 = tpu.vector_load %arg7[%get3A_178, %get3A_179] {strides = array<i32>} : memref<128x128xf32, #tpu.memory_space<vmem>>, vector<16xf32>,
        %mul3A_181 = arith.mulf %get3A_177, %get3A_180 : vector<16xf32>
        %get3A_182 = arith.index_cast %add3A_160 : i32 to index
        %get3A_183 = arith.constant 48 : index
        %get3A_184 = tpu.vector_load %arg5[%get3A_182, %get3A_183] {strides = array<i32>} : memref<128x128xf32, #tpu.memory_space<vmem>>, vector<16xf32>,
        %get3A_185 = arith.index_cast %add3A_160 : i32 to index
        %get3A_186 = arith.constant 48 : index
        %get3A_187 = tpu.vector_load %arg7[%get3A_185, %get3A_186] {strides = array<i32>} : memref<128x128xf32, #tpu.memory_space<vmem>>, vector<16xf32>,
        %mul3A_188 = arith.mulf %get3A_184, %get3A_187 : vector<16xf32>
        %get3A_189 = arith.index_cast %add3A_160 : i32 to index
        %get3A_190 = arith.constant 64 : index
        %get3A_191 = tpu.vector_load %arg5[%get3A_189, %get3A_190] {strides = array<i32>} : memref<128x128xf32, #tpu.memory_space<vmem>>, vector<16xf32>,
        %get3A_192 = arith.index_cast %add3A_160 : i32 to index
        %get3A_193 = arith.constant 64 : index
        %get3A_194 = tpu.vector_load %arg7[%get3A_192, %get3A_193] {strides = array<i32>} : memref<128x128xf32, #tpu.memory_space<vmem>>, vector<16xf32>,
        %mul3A_195 = arith.mulf %get3A_191, %get3A_194 : vector<16xf32>
        %get3A_196 = arith.index_cast %add3A_160 : i32 to index
        %get3A_197 = arith.constant 80 : index
        %get3A_198 = tpu.vector_load %arg5[%get3A_196, %get3A_197] {strides = array<i32>} : memref<128x128xf32, #tpu.memory_space<vmem>>, vector<16xf32>,
        %get3A_199 = arith.index_cast %add3A_160 : i32 to index
        %get3A_200 = arith.constant 80 : index
        %get3A_201 = tpu.vector_load %arg7[%get3A_199, %get3A_200] {strides = array<i32>} : memref<128x128xf32, #tpu.memory_space<vmem>>, vector<16xf32>,
        %mul3A_202 = arith.mulf %get3A_198, %get3A_201 : vector<16xf32>
        %get3A_203 = arith.index_cast %add3A_160 : i32 to index
        %get3A_204 = arith.constant 96 : index
        %get3A_205 = tpu.vector_load %arg5[%get3A_203, %get3A_204] {strides = array<i32>} : memref<128x128xf32, #tpu.memory_space<vmem>>, vector<16xf32>,
        %get3A_206 = arith.index_cast %add3A_160 : i32 to index
        %get3A_207 = arith.constant 96 : index
        %get3A_208 = tpu.vector_load %arg7[%get3A_206, %get3A_207] {strides = array<i32>} : memref<128x128xf32, #tpu.memory_space<vmem>>, vector<16xf32>,
        %mul3A_209 = arith.mulf %get3A_205, %get3A_208 : vector<16xf32>
        %get3A_210 = arith.index_cast %add3A_160 : i32 to index
        %get3A_211 = arith.constant 112 : index
        %get3A_212 = tpu.vector_load %arg5[%get3A_210, %get3A_211] {strides = array<i32>} : memref<128x128xf32, #tpu.memory_space<vmem>>, vector<16xf32>,
        %get3A_213 = arith.index_cast %add3A_160 : i32 to index
        %get3A_214 = arith.constant 112 : index
        %get3A_215 = tpu.vector_load %arg7[%get3A_213, %get3A_214] {strides = array<i32>} : memref<128x128xf32, #tpu.memory_space<vmem>>, vector<16xf32>,
        %mul3A_216 = arith.mulf %get3A_212, %get3A_215 : vector<16xf32>
        %add3A_217 = vector.broadcast %scan3A_157 : i32 to vector<16xi32>
        %add3A_218 = arith.addi %mul3A_5, %add3A_217 : vector<16xi32>
        %add3A_219 = arith.addf %mul3A_167, %mul3A_174 : vector<16xf32>
        %add3A_220 = arith.addf %mul3A_181, %mul3A_188 : vector<16xf32>
        %add3A_221 = arith.addf %mul3A_195, %mul3A_202 : vector<16xf32>
        %add3A_222 = arith.addf %mul3A_209, %mul3A_216 : vector<16xf32>
        %add3A_223 = arith.addf %add3A_219, %add3A_220 : vector<16xf32>
        %add3A_224 = arith.addf %add3A_221, %add3A_222 : vector<16xf32>
        %add3A_225 = arith.addf %add3A_223, %add3A_224 : vector<16xf32>
        tpu.vector_store_idx %arg10[%add3A_218], %add3A_225 : memref<272xf32, #tpu.memory_space<vmem>>[vector<16xi32>], vector<16xf32>,
      }
      %scan3A_105 = arith.constant 16 : i32
      %get3A = arith.constant 0 : index
      %get3A_106 = tpu.vector_load %arg10[%get3A] {strides = array<i32>} : memref<272xf32, #tpu.memory_space<vmem>>, vector<16xf32>,
      %get3A_107 = arith.constant 17 : index
      %get3A_108 = tpu.vector_load %arg10[%get3A_107] {strides = array<i32>} : memref<272xf32, #tpu.memory_space<vmem>>, vector<16xf32>,
      %get3A_109 = arith.constant 34 : index
      %get3A_110 = tpu.vector_load %arg10[%get3A_109] {strides = array<i32>} : memref<272xf32, #tpu.memory_space<vmem>>, vector<16xf32>,
      %get3A_111 = arith.constant 51 : index
      %get3A_112 = tpu.vector_load %arg10[%get3A_111] {strides = array<i32>} : memref<272xf32, #tpu.memory_space<vmem>>, vector<16xf32>,
      %get3A_113 = arith.constant 68 : index
      %get3A_114 = tpu.vector_load %arg10[%get3A_113] {strides = array<i32>} : memref<272xf32, #tpu.memory_space<vmem>>, vector<16xf32>,
      %get3A_115 = arith.constant 85 : index
      %get3A_116 = tpu.vector_load %arg10[%get3A_115] {strides = array<i32>} : memref<272xf32, #tpu.memory_space<vmem>>, vector<16xf32>,
      %get3A_117 = arith.constant 102 : index
      %get3A_118 = tpu.vector_load %arg10[%get3A_117] {strides = array<i32>} : memref<272xf32, #tpu.memory_space<vmem>>, vector<16xf32>,
      %get3A_119 = arith.constant 119 : index
      %get3A_120 = tpu.vector_load %arg10[%get3A_119] {strides = array<i32>} : memref<272xf32, #tpu.memory_space<vmem>>, vector<16xf32>,
      %get3A_121 = arith.constant 136 : index
      %get3A_122 = tpu.vector_load %arg10[%get3A_121] {strides = array<i32>} : memref<272xf32, #tpu.memory_space<vmem>>, vector<16xf32>,
      %get3A_123 = arith.constant 153 : index
      %get3A_124 = tpu.vector_load %arg10[%get3A_123] {strides = array<i32>} : memref<272xf32, #tpu.memory_space<vmem>>, vector<16xf32>,
      %get3A_125 = arith.constant 170 : index
      %get3A_126 = tpu.vector_load %arg10[%get3A_125] {strides = array<i32>} : memref<272xf32, #tpu.memory_space<vmem>>, vector<16xf32>,
      %get3A_127 = arith.constant 187 : index
      %get3A_128 = tpu.vector_load %arg10[%get3A_127] {strides = array<i32>} : memref<272xf32, #tpu.memory_space<vmem>>, vector<16xf32>,
      %get3A_129 = arith.constant 204 : index
      %get3A_130 = tpu.vector_load %arg10[%get3A_129] {strides = array<i32>} : memref<272xf32, #tpu.memory_space<vmem>>, vector<16xf32>,
      %get3A_131 = arith.constant 221 : index
      %get3A_132 = tpu.vector_load %arg10[%get3A_131] {strides = array<i32>} : memref<272xf32, #tpu.memory_space<vmem>>, vector<16xf32>,
      %get3A_133 = arith.constant 238 : index
      %get3A_134 = tpu.vector_load %arg10[%get3A_133] {strides = array<i32>} : memref<272xf32, #tpu.memory_space<vmem>>, vector<16xf32>,
      %get3A_135 = arith.constant 255 : index
      %get3A_136 = tpu.vector_load %arg10[%get3A_135] {strides = array<i32>} : memref<272xf32, #tpu.memory_space<vmem>>, vector<16xf32>,
      %add3A_137 = arith.addf %get3A_106, %get3A_108 : vector<16xf32>
      %add3A_138 = arith.addf %get3A_110, %get3A_112 : vector<16xf32>
      %add3A_139 = arith.addf %get3A_114, %get3A_116 : vector<16xf32>
      %add3A_140 = arith.addf %get3A_118, %get3A_120 : vector<16xf32>
      %add3A_141 = arith.addf %get3A_122, %get3A_124 : vector<16xf32>
      %add3A_142 = arith.addf %get3A_126, %get3A_128 : vector<16xf32>
      %add3A_143 = arith.addf %get3A_130, %get3A_132 : vector<16xf32>
      %add3A_144 = arith.addf %get3A_134, %get3A_136 : vector<16xf32>
      %add3A_145 = arith.addf %add3A_137, %add3A_138 : vector<16xf32>
      %add3A_146 = arith.addf %add3A_139, %add3A_140 : vector<16xf32>
      %add3A_147 = arith.addf %add3A_141, %add3A_142 : vector<16xf32>
      %add3A_148 = arith.addf %add3A_143, %add3A_144 : vector<16xf32>
      %add3A_149 = arith.addf %add3A_145, %add3A_146 : vector<16xf32>
      %add3A_150 = arith.addf %add3A_147, %add3A_148 : vector<16xf32>
      %add3A_151 = arith.addf %add3A_149, %add3A_150 : vector<16xf32>
      %mul3A_152 = arith.constant 16 : i32
      %mul3A_153 = arith.muli %scan3A_99, %mul3A_152 : i32
      %add3A_154 = arith.constant 0 : i32
      %add3A_155 = arith.addi %add3A_154, %mul3A_153 : i32
      %swap3A = arith.index_cast %add3A_155 : i32 to index
      %swap3A_156 = tpu.vector_load %arg9[%swap3A] {strides = array<i32>} : memref<512xf32, #tpu.memory_space<vmem>>, vector<16xf32>,
      tpu.vector_store %arg9[%swap3A], %add3A_151 {strides = array<i32>} : memref<512xf32, #tpu.memory_space<vmem>>, vector<16xf32>,
    }
    %scan3A_36 = arith.constant 8 : i32
    %add3A_37 = arith.constant 256 : i32
    %add3A_38 = arith.addi %mul3A_2, %add3A_37 : i32
    %dma_start3A_39 = arith.constant 0 : i32
    %dma_start3A_40 = tpu.memref_slice %arg2[%add3A_38, %dma_start3A_39] : memref<16384x128xf32, #tpu.memory_space<hbm>> -> memref<128x128xf32, #tpu.memory_space<hbm>>
    %dma_start3A_41 = arith.constant 0 : i32
    %dma_start3A_42 = tpu.memref_slice %arg2[%add3A_38, %dma_start3A_41] : memref<16384x128xf32, #tpu.memory_space<hbm>> -> memref<128x128xf32, #tpu.memory_space<hbm>>
    tpu.enqueue_dma source(%dma_start3A_42 : memref<128x128xf32, #tpu.memory_space<hbm>>) target(%arg5 : memref<128x128xf32, #tpu.memory_space<vmem>>) target_semaphore(%arg11 : memref<!tpu.dma_semaphore, #tpu.memory_space<semaphore_mem>>)
    %dma_start3A_43 = arith.constant 0 : i32
    %dma_start3A_44 = tpu.memref_slice %arg3[%add3A_38, %dma_start3A_43] : memref<16384x128xf32, #tpu.memory_space<hbm>> -> memref<128x128xf32, #tpu.memory_space<hbm>>
    %dma_start3A_45 = arith.constant 0 : i32
    %dma_start3A_46 = tpu.memref_slice %arg3[%add3A_38, %dma_start3A_45] : memref<16384x128xf32, #tpu.memory_space<hbm>> -> memref<128x128xf32, #tpu.memory_space<hbm>>
    tpu.enqueue_dma source(%dma_start3A_46 : memref<128x128xf32, #tpu.memory_space<hbm>>) target(%arg7 : memref<128x128xf32, #tpu.memory_space<vmem>>) target_semaphore(%arg11 : memref<!tpu.dma_semaphore, #tpu.memory_space<semaphore_mem>>)
    %dma_wait3A_47 = arith.constant 0 : i32
    %dma_wait3A_48 = tpu.memref_slice %arg2[%add3A_16, %dma_wait3A_47] : memref<16384x128xf32, #tpu.memory_space<hbm>> -> memref<128x128xf32, #tpu.memory_space<hbm>>
    %dma_wait3A_49 = arith.constant 0 : i32
    %dma_wait3A_50 = tpu.memref_slice %arg2[%add3A_16, %dma_wait3A_49] : memref<16384x128xf32, #tpu.memory_space<hbm>> -> memref<128x128xf32, #tpu.memory_space<hbm>>
    tpu.wait_dma2 semaphore(%arg12 : memref<!tpu.dma_semaphore, #tpu.memory_space<semaphore_mem>>) src(%dma_wait3A_50 : memref<128x128xf32, #tpu.memory_space<hbm>>) dst(%arg6 : memref<128x128xf32, #tpu.memory_space<vmem>>)
    %dma_wait3A_51 = arith.constant 0 : i32
    %dma_wait3A_52 = tpu.memref_slice %arg3[%add3A_16, %dma_wait3A_51] : memref<16384x128xf32, #tpu.memory_space<hbm>> -> memref<128x128xf32, #tpu.memory_space<hbm>>
    %dma_wait3A_53 = arith.constant 0 : i32
    %dma_wait3A_54 = tpu.memref_slice %arg3[%add3A_16, %dma_wait3A_53] : memref<16384x128xf32, #tpu.memory_space<hbm>> -> memref<128x128xf32, #tpu.memory_space<hbm>>
    tpu.wait_dma2 semaphore(%arg12 : memref<!tpu.dma_semaphore, #tpu.memory_space<semaphore_mem>>) src(%dma_wait3A_54 : memref<128x128xf32, #tpu.memory_space<hbm>>) dst(%arg8 : memref<128x128xf32, #tpu.memory_space<vmem>>)
    %scan3A_55 = arith.constant 0 : i32
    %scan3A_56 = arith.constant 0 : i32
    %scan3A_57 = arith.constant 8 : i32
    %scan3A_58 = arith.addi %scan3A_56, %scan3A_57 : i32
    %scan3A_59 = arith.constant 1 : i32
    scf.for %scan3A_99 = %scan3A_56 to %scan3A_58 step %scan3A_59  : i32 {
      %scan3A_100 = arith.constant 0 : i32
      %scan3A_101 = arith.constant 0 : i32
      %scan3A_102 = arith.constant 16 : i32
      %scan3A_103 = arith.addi %scan3A_101, %scan3A_102 : i32
      %scan3A_104 = arith.constant 1 : i32
      scf.for %scan3A_157 = %scan3A_101 to %scan3A_103 step %scan3A_104  : i32 {
        %mul3A_158 = arith.constant 16 : i32
        %mul3A_159 = arith.muli %scan3A_99, %mul3A_158 : i32
        %add3A_160 = arith.addi %mul3A_159, %scan3A_157 : i32
        %get3A_161 = arith.index_cast %add3A_160 : i32 to index
        %get3A_162 = arith.constant 0 : index
        %get3A_163 = tpu.vector_load %arg6[%get3A_161, %get3A_162] {strides = array<i32>} : memref<128x128xf32, #tpu.memory_space<vmem>>, vector<16xf32>,
        %get3A_164 = arith.index_cast %add3A_160 : i32 to index
        %get3A_165 = arith.constant 0 : index
        %get3A_166 = tpu.vector_load %arg8[%get3A_164, %get3A_165] {strides = array<i32>} : memref<128x128xf32, #tpu.memory_space<vmem>>, vector<16xf32>,
        %mul3A_167 = arith.mulf %get3A_163, %get3A_166 : vector<16xf32>
        %get3A_168 = arith.index_cast %add3A_160 : i32 to index
        %get3A_169 = arith.constant 16 : index
        %get3A_170 = tpu.vector_load %arg6[%get3A_168, %get3A_169] {strides = array<i32>} : memref<128x128xf32, #tpu.memory_space<vmem>>, vector<16xf32>,
        %get3A_171 = arith.index_cast %add3A_160 : i32 to index
        %get3A_172 = arith.constant 16 : index
        %get3A_173 = tpu.vector_load %arg8[%get3A_171, %get3A_172] {strides = array<i32>} : memref<128x128xf32, #tpu.memory_space<vmem>>, vector<16xf32>,
        %mul3A_174 = arith.mulf %get3A_170, %get3A_173 : vector<16xf32>
        %get3A_175 = arith.index_cast %add3A_160 : i32 to index
        %get3A_176 = arith.constant 32 : index
        %get3A_177 = tpu.vector_load %arg6[%get3A_175, %get3A_176] {strides = array<i32>} : memref<128x128xf32, #tpu.memory_space<vmem>>, vector<16xf32>,
        %get3A_178 = arith.index_cast %add3A_160 : i32 to index
        %get3A_179 = arith.constant 32 : index
        %get3A_180 = tpu.vector_load %arg8[%get3A_178, %get3A_179] {strides = array<i32>} : memref<128x128xf32, #tpu.memory_space<vmem>>, vector<16xf32>,
        %mul3A_181 = arith.mulf %get3A_177, %get3A_180 : vector<16xf32>
        %get3A_182 = arith.index_cast %add3A_160 : i32 to index
        %get3A_183 = arith.constant 48 : index
        %get3A_184 = tpu.vector_load %arg6[%get3A_182, %get3A_183] {strides = array<i32>} : memref<128x128xf32, #tpu.memory_space<vmem>>, vector<16xf32>,
        %get3A_185 = arith.index_cast %add3A_160 : i32 to index
        %get3A_186 = arith.constant 48 : index
        %get3A_187 = tpu.vector_load %arg8[%get3A_185, %get3A_186] {strides = array<i32>} : memref<128x128xf32, #tpu.memory_space<vmem>>, vector<16xf32>,
        %mul3A_188 = arith.mulf %get3A_184, %get3A_187 : vector<16xf32>
        %get3A_189 = arith.index_cast %add3A_160 : i32 to index
        %get3A_190 = arith.constant 64 : index
        %get3A_191 = tpu.vector_load %arg6[%get3A_189, %get3A_190] {strides = array<i32>} : memref<128x128xf32, #tpu.memory_space<vmem>>, vector<16xf32>,
        %get3A_192 = arith.index_cast %add3A_160 : i32 to index
        %get3A_193 = arith.constant 64 : index
        %get3A_194 = tpu.vector_load %arg8[%get3A_192, %get3A_193] {strides = array<i32>} : memref<128x128xf32, #tpu.memory_space<vmem>>, vector<16xf32>,
        %mul3A_195 = arith.mulf %get3A_191, %get3A_194 : vector<16xf32>
        %get3A_196 = arith.index_cast %add3A_160 : i32 to index
        %get3A_197 = arith.constant 80 : index
        %get3A_198 = tpu.vector_load %arg6[%get3A_196, %get3A_197] {strides = array<i32>} : memref<128x128xf32, #tpu.memory_space<vmem>>, vector<16xf32>,
        %get3A_199 = arith.index_cast %add3A_160 : i32 to index
        %get3A_200 = arith.constant 80 : index
        %get3A_201 = tpu.vector_load %arg8[%get3A_199, %get3A_200] {strides = array<i32>} : memref<128x128xf32, #tpu.memory_space<vmem>>, vector<16xf32>,
        %mul3A_202 = arith.mulf %get3A_198, %get3A_201 : vector<16xf32>
        %get3A_203 = arith.index_cast %add3A_160 : i32 to index
        %get3A_204 = arith.constant 96 : index
        %get3A_205 = tpu.vector_load %arg6[%get3A_203, %get3A_204] {strides = array<i32>} : memref<128x128xf32, #tpu.memory_space<vmem>>, vector<16xf32>,
        %get3A_206 = arith.index_cast %add3A_160 : i32 to index
        %get3A_207 = arith.constant 96 : index
        %get3A_208 = tpu.vector_load %arg8[%get3A_206, %get3A_207] {strides = array<i32>} : memref<128x128xf32, #tpu.memory_space<vmem>>, vector<16xf32>,
        %mul3A_209 = arith.mulf %get3A_205, %get3A_208 : vector<16xf32>
        %get3A_210 = arith.index_cast %add3A_160 : i32 to index
        %get3A_211 = arith.constant 112 : index
        %get3A_212 = tpu.vector_load %arg6[%get3A_210, %get3A_211] {strides = array<i32>} : memref<128x128xf32, #tpu.memory_space<vmem>>, vector<16xf32>,
        %get3A_213 = arith.index_cast %add3A_160 : i32 to index
        %get3A_214 = arith.constant 112 : index
        %get3A_215 = tpu.vector_load %arg8[%get3A_213, %get3A_214] {strides = array<i32>} : memref<128x128xf32, #tpu.memory_space<vmem>>, vector<16xf32>,
        %mul3A_216 = arith.mulf %get3A_212, %get3A_215 : vector<16xf32>
        %add3A_217 = vector.broadcast %scan3A_157 : i32 to vector<16xi32>
        %add3A_218 = arith.addi %mul3A_5, %add3A_217 : vector<16xi32>
        %add3A_219 = arith.addf %mul3A_167, %mul3A_174 : vector<16xf32>
        %add3A_220 = arith.addf %mul3A_181, %mul3A_188 : vector<16xf32>
        %add3A_221 = arith.addf %mul3A_195, %mul3A_202 : vector<16xf32>
        %add3A_222 = arith.addf %mul3A_209, %mul3A_216 : vector<16xf32>
        %add3A_223 = arith.addf %add3A_219, %add3A_220 : vector<16xf32>
        %add3A_224 = arith.addf %add3A_221, %add3A_222 : vector<16xf32>
        %add3A_225 = arith.addf %add3A_223, %add3A_224 : vector<16xf32>
        tpu.vector_store_idx %arg10[%add3A_218], %add3A_225 : memref<272xf32, #tpu.memory_space<vmem>>[vector<16xi32>], vector<16xf32>,
      }
      %scan3A_105 = arith.constant 16 : i32
      %get3A = arith.constant 0 : index
      %get3A_106 = tpu.vector_load %arg10[%get3A] {strides = array<i32>} : memref<272xf32, #tpu.memory_space<vmem>>, vector<16xf32>,
      %get3A_107 = arith.constant 17 : index
      %get3A_108 = tpu.vector_load %arg10[%get3A_107] {strides = array<i32>} : memref<272xf32, #tpu.memory_space<vmem>>, vector<16xf32>,
      %get3A_109 = arith.constant 34 : index
      %get3A_110 = tpu.vector_load %arg10[%get3A_109] {strides = array<i32>} : memref<272xf32, #tpu.memory_space<vmem>>, vector<16xf32>,
      %get3A_111 = arith.constant 51 : index
      %get3A_112 = tpu.vector_load %arg10[%get3A_111] {strides = array<i32>} : memref<272xf32, #tpu.memory_space<vmem>>, vector<16xf32>,
      %get3A_113 = arith.constant 68 : index
      %get3A_114 = tpu.vector_load %arg10[%get3A_113] {strides = array<i32>} : memref<272xf32, #tpu.memory_space<vmem>>, vector<16xf32>,
      %get3A_115 = arith.constant 85 : index
      %get3A_116 = tpu.vector_load %arg10[%get3A_115] {strides = array<i32>} : memref<272xf32, #tpu.memory_space<vmem>>, vector<16xf32>,
      %get3A_117 = arith.constant 102 : index
      %get3A_118 = tpu.vector_load %arg10[%get3A_117] {strides = array<i32>} : memref<272xf32, #tpu.memory_space<vmem>>, vector<16xf32>,
      %get3A_119 = arith.constant 119 : index
      %get3A_120 = tpu.vector_load %arg10[%get3A_119] {strides = array<i32>} : memref<272xf32, #tpu.memory_space<vmem>>, vector<16xf32>,
      %get3A_121 = arith.constant 136 : index
      %get3A_122 = tpu.vector_load %arg10[%get3A_121] {strides = array<i32>} : memref<272xf32, #tpu.memory_space<vmem>>, vector<16xf32>,
      %get3A_123 = arith.constant 153 : index
      %get3A_124 = tpu.vector_load %arg10[%get3A_123] {strides = array<i32>} : memref<272xf32, #tpu.memory_space<vmem>>, vector<16xf32>,
      %get3A_125 = arith.constant 170 : index
      %get3A_126 = tpu.vector_load %arg10[%get3A_125] {strides = array<i32>} : memref<272xf32, #tpu.memory_space<vmem>>, vector<16xf32>,
      %get3A_127 = arith.constant 187 : index
      %get3A_128 = tpu.vector_load %arg10[%get3A_127] {strides = array<i32>} : memref<272xf32, #tpu.memory_space<vmem>>, vector<16xf32>,
      %get3A_129 = arith.constant 204 : index
      %get3A_130 = tpu.vector_load %arg10[%get3A_129] {strides = array<i32>} : memref<272xf32, #tpu.memory_space<vmem>>, vector<16xf32>,
      %get3A_131 = arith.constant 221 : index
      %get3A_132 = tpu.vector_load %arg10[%get3A_131] {strides = array<i32>} : memref<272xf32, #tpu.memory_space<vmem>>, vector<16xf32>,
      %get3A_133 = arith.constant 238 : index
      %get3A_134 = tpu.vector_load %arg10[%get3A_133] {strides = array<i32>} : memref<272xf32, #tpu.memory_space<vmem>>, vector<16xf32>,
      %get3A_135 = arith.constant 255 : index
      %get3A_136 = tpu.vector_load %arg10[%get3A_135] {strides = array<i32>} : memref<272xf32, #tpu.memory_space<vmem>>, vector<16xf32>,
      %add3A_137 = arith.addf %get3A_106, %get3A_108 : vector<16xf32>
      %add3A_138 = arith.addf %get3A_110, %get3A_112 : vector<16xf32>
      %add3A_139 = arith.addf %get3A_114, %get3A_116 : vector<16xf32>
      %add3A_140 = arith.addf %get3A_118, %get3A_120 : vector<16xf32>
      %add3A_141 = arith.addf %get3A_122, %get3A_124 : vector<16xf32>
      %add3A_142 = arith.addf %get3A_126, %get3A_128 : vector<16xf32>
      %add3A_143 = arith.addf %get3A_130, %get3A_132 : vector<16xf32>
      %add3A_144 = arith.addf %get3A_134, %get3A_136 : vector<16xf32>
      %add3A_145 = arith.addf %add3A_137, %add3A_138 : vector<16xf32>
      %add3A_146 = arith.addf %add3A_139, %add3A_140 : vector<16xf32>
      %add3A_147 = arith.addf %add3A_141, %add3A_142 : vector<16xf32>
      %add3A_148 = arith.addf %add3A_143, %add3A_144 : vector<16xf32>
      %add3A_149 = arith.addf %add3A_145, %add3A_146 : vector<16xf32>
      %add3A_150 = arith.addf %add3A_147, %add3A_148 : vector<16xf32>
      %add3A_151 = arith.addf %add3A_149, %add3A_150 : vector<16xf32>
      %mul3A_152 = arith.constant 16 : i32
      %mul3A_153 = arith.muli %scan3A_99, %mul3A_152 : i32
      %add3A_154 = arith.constant 128 : i32
      %add3A_155 = arith.addi %add3A_154, %mul3A_153 : i32
      %swap3A = arith.index_cast %add3A_155 : i32 to index
      %swap3A_156 = tpu.vector_load %arg9[%swap3A] {strides = array<i32>} : memref<512xf32, #tpu.memory_space<vmem>>, vector<16xf32>,
      tpu.vector_store %arg9[%swap3A], %add3A_151 {strides = array<i32>} : memref<512xf32, #tpu.memory_space<vmem>>, vector<16xf32>,
    }
    %scan3A_60 = arith.constant 8 : i32
    %add3A_61 = arith.constant 384 : i32
    %add3A_62 = arith.addi %mul3A_2, %add3A_61 : i32
    %dma_start3A_63 = arith.constant 0 : i32
    %dma_start3A_64 = tpu.memref_slice %arg2[%add3A_62, %dma_start3A_63] : memref<16384x128xf32, #tpu.memory_space<hbm>> -> memref<128x128xf32, #tpu.memory_space<hbm>>
    %dma_start3A_65 = arith.constant 0 : i32
    %dma_start3A_66 = tpu.memref_slice %arg2[%add3A_62, %dma_start3A_65] : memref<16384x128xf32, #tpu.memory_space<hbm>> -> memref<128x128xf32, #tpu.memory_space<hbm>>
    tpu.enqueue_dma source(%dma_start3A_66 : memref<128x128xf32, #tpu.memory_space<hbm>>) target(%arg6 : memref<128x128xf32, #tpu.memory_space<vmem>>) target_semaphore(%arg12 : memref<!tpu.dma_semaphore, #tpu.memory_space<semaphore_mem>>)
    %dma_start3A_67 = arith.constant 0 : i32
    %dma_start3A_68 = tpu.memref_slice %arg3[%add3A_62, %dma_start3A_67] : memref<16384x128xf32, #tpu.memory_space<hbm>> -> memref<128x128xf32, #tpu.memory_space<hbm>>
    %dma_start3A_69 = arith.constant 0 : i32
    %dma_start3A_70 = tpu.memref_slice %arg3[%add3A_62, %dma_start3A_69] : memref<16384x128xf32, #tpu.memory_space<hbm>> -> memref<128x128xf32, #tpu.memory_space<hbm>>
    tpu.enqueue_dma source(%dma_start3A_70 : memref<128x128xf32, #tpu.memory_space<hbm>>) target(%arg8 : memref<128x128xf32, #tpu.memory_space<vmem>>) target_semaphore(%arg12 : memref<!tpu.dma_semaphore, #tpu.memory_space<semaphore_mem>>)
    %dma_wait3A_71 = arith.constant 0 : i32
    %dma_wait3A_72 = tpu.memref_slice %arg2[%add3A_38, %dma_wait3A_71] : memref<16384x128xf32, #tpu.memory_space<hbm>> -> memref<128x128xf32, #tpu.memory_space<hbm>>
    %dma_wait3A_73 = arith.constant 0 : i32
    %dma_wait3A_74 = tpu.memref_slice %arg2[%add3A_38, %dma_wait3A_73] : memref<16384x128xf32, #tpu.memory_space<hbm>> -> memref<128x128xf32, #tpu.memory_space<hbm>>
    tpu.wait_dma2 semaphore(%arg11 : memref<!tpu.dma_semaphore, #tpu.memory_space<semaphore_mem>>) src(%dma_wait3A_74 : memref<128x128xf32, #tpu.memory_space<hbm>>) dst(%arg5 : memref<128x128xf32, #tpu.memory_space<vmem>>)
    %dma_wait3A_75 = arith.constant 0 : i32
    %dma_wait3A_76 = tpu.memref_slice %arg3[%add3A_38, %dma_wait3A_75] : memref<16384x128xf32, #tpu.memory_space<hbm>> -> memref<128x128xf32, #tpu.memory_space<hbm>>
    %dma_wait3A_77 = arith.constant 0 : i32
    %dma_wait3A_78 = tpu.memref_slice %arg3[%add3A_38, %dma_wait3A_77] : memref<16384x128xf32, #tpu.memory_space<hbm>> -> memref<128x128xf32, #tpu.memory_space<hbm>>
    tpu.wait_dma2 semaphore(%arg11 : memref<!tpu.dma_semaphore, #tpu.memory_space<semaphore_mem>>) src(%dma_wait3A_78 : memref<128x128xf32, #tpu.memory_space<hbm>>) dst(%arg7 : memref<128x128xf32, #tpu.memory_space<vmem>>)
    %scan3A_79 = arith.constant 0 : i32
    %scan3A_80 = arith.constant 0 : i32
    %scan3A_81 = arith.constant 8 : i32
    %scan3A_82 = arith.addi %scan3A_80, %scan3A_81 : i32
    %scan3A_83 = arith.constant 1 : i32
    scf.for %scan3A_99 = %scan3A_80 to %scan3A_82 step %scan3A_83  : i32 {
      %scan3A_100 = arith.constant 0 : i32
      %scan3A_101 = arith.constant 0 : i32
      %scan3A_102 = arith.constant 16 : i32
      %scan3A_103 = arith.addi %scan3A_101, %scan3A_102 : i32
      %scan3A_104 = arith.constant 1 : i32
      scf.for %scan3A_157 = %scan3A_101 to %scan3A_103 step %scan3A_104  : i32 {
        %mul3A_158 = arith.constant 16 : i32
        %mul3A_159 = arith.muli %scan3A_99, %mul3A_158 : i32
        %add3A_160 = arith.addi %mul3A_159, %scan3A_157 : i32
        %get3A_161 = arith.index_cast %add3A_160 : i32 to index
        %get3A_162 = arith.constant 0 : index
        %get3A_163 = tpu.vector_load %arg5[%get3A_161, %get3A_162] {strides = array<i32>} : memref<128x128xf32, #tpu.memory_space<vmem>>, vector<16xf32>,
        %get3A_164 = arith.index_cast %add3A_160 : i32 to index
        %get3A_165 = arith.constant 0 : index
        %get3A_166 = tpu.vector_load %arg7[%get3A_164, %get3A_165] {strides = array<i32>} : memref<128x128xf32, #tpu.memory_space<vmem>>, vector<16xf32>,
        %mul3A_167 = arith.mulf %get3A_163, %get3A_166 : vector<16xf32>
        %get3A_168 = arith.index_cast %add3A_160 : i32 to index
        %get3A_169 = arith.constant 16 : index
        %get3A_170 = tpu.vector_load %arg5[%get3A_168, %get3A_169] {strides = array<i32>} : memref<128x128xf32, #tpu.memory_space<vmem>>, vector<16xf32>,
        %get3A_171 = arith.index_cast %add3A_160 : i32 to index
        %get3A_172 = arith.constant 16 : index
        %get3A_173 = tpu.vector_load %arg7[%get3A_171, %get3A_172] {strides = array<i32>} : memref<128x128xf32, #tpu.memory_space<vmem>>, vector<16xf32>,
        %mul3A_174 = arith.mulf %get3A_170, %get3A_173 : vector<16xf32>
        %get3A_175 = arith.index_cast %add3A_160 : i32 to index
        %get3A_176 = arith.constant 32 : index
        %get3A_177 = tpu.vector_load %arg5[%get3A_175, %get3A_176] {strides = array<i32>} : memref<128x128xf32, #tpu.memory_space<vmem>>, vector<16xf32>,
        %get3A_178 = arith.index_cast %add3A_160 : i32 to index
        %get3A_179 = arith.constant 32 : index
        %get3A_180 = tpu.vector_load %arg7[%get3A_178, %get3A_179] {strides = array<i32>} : memref<128x128xf32, #tpu.memory_space<vmem>>, vector<16xf32>,
        %mul3A_181 = arith.mulf %get3A_177, %get3A_180 : vector<16xf32>
        %get3A_182 = arith.index_cast %add3A_160 : i32 to index
        %get3A_183 = arith.constant 48 : index
        %get3A_184 = tpu.vector_load %arg5[%get3A_182, %get3A_183] {strides = array<i32>} : memref<128x128xf32, #tpu.memory_space<vmem>>, vector<16xf32>,
        %get3A_185 = arith.index_cast %add3A_160 : i32 to index
        %get3A_186 = arith.constant 48 : index
        %get3A_187 = tpu.vector_load %arg7[%get3A_185, %get3A_186] {strides = array<i32>} : memref<128x128xf32, #tpu.memory_space<vmem>>, vector<16xf32>,
        %mul3A_188 = arith.mulf %get3A_184, %get3A_187 : vector<16xf32>
        %get3A_189 = arith.index_cast %add3A_160 : i32 to index
        %get3A_190 = arith.constant 64 : index
        %get3A_191 = tpu.vector_load %arg5[%get3A_189, %get3A_190] {strides = array<i32>} : memref<128x128xf32, #tpu.memory_space<vmem>>, vector<16xf32>,
        %get3A_192 = arith.index_cast %add3A_160 : i32 to index
        %get3A_193 = arith.constant 64 : index
        %get3A_194 = tpu.vector_load %arg7[%get3A_192, %get3A_193] {strides = array<i32>} : memref<128x128xf32, #tpu.memory_space<vmem>>, vector<16xf32>,
        %mul3A_195 = arith.mulf %get3A_191, %get3A_194 : vector<16xf32>
        %get3A_196 = arith.index_cast %add3A_160 : i32 to index
        %get3A_197 = arith.constant 80 : index
        %get3A_198 = tpu.vector_load %arg5[%get3A_196, %get3A_197] {strides = array<i32>} : memref<128x128xf32, #tpu.memory_space<vmem>>, vector<16xf32>,
        %get3A_199 = arith.index_cast %add3A_160 : i32 to index
        %get3A_200 = arith.constant 80 : index
        %get3A_201 = tpu.vector_load %arg7[%get3A_199, %get3A_200] {strides = array<i32>} : memref<128x128xf32, #tpu.memory_space<vmem>>, vector<16xf32>,
        %mul3A_202 = arith.mulf %get3A_198, %get3A_201 : vector<16xf32>
        %get3A_203 = arith.index_cast %add3A_160 : i32 to index
        %get3A_204 = arith.constant 96 : index
        %get3A_205 = tpu.vector_load %arg5[%get3A_203, %get3A_204] {strides = array<i32>} : memref<128x128xf32, #tpu.memory_space<vmem>>, vector<16xf32>,
        %get3A_206 = arith.index_cast %add3A_160 : i32 to index
        %get3A_207 = arith.constant 96 : index
        %get3A_208 = tpu.vector_load %arg7[%get3A_206, %get3A_207] {strides = array<i32>} : memref<128x128xf32, #tpu.memory_space<vmem>>, vector<16xf32>,
        %mul3A_209 = arith.mulf %get3A_205, %get3A_208 : vector<16xf32>
        %get3A_210 = arith.index_cast %add3A_160 : i32 to index
        %get3A_211 = arith.constant 112 : index
        %get3A_212 = tpu.vector_load %arg5[%get3A_210, %get3A_211] {strides = array<i32>} : memref<128x128xf32, #tpu.memory_space<vmem>>, vector<16xf32>,
        %get3A_213 = arith.index_cast %add3A_160 : i32 to index
        %get3A_214 = arith.constant 112 : index
        %get3A_215 = tpu.vector_load %arg7[%get3A_213, %get3A_214] {strides = array<i32>} : memref<128x128xf32, #tpu.memory_space<vmem>>, vector<16xf32>,
        %mul3A_216 = arith.mulf %get3A_212, %get3A_215 : vector<16xf32>
        %add3A_217 = vector.broadcast %scan3A_157 : i32 to vector<16xi32>
        %add3A_218 = arith.addi %mul3A_5, %add3A_217 : vector<16xi32>
        %add3A_219 = arith.addf %mul3A_167, %mul3A_174 : vector<16xf32>
        %add3A_220 = arith.addf %mul3A_181, %mul3A_188 : vector<16xf32>
        %add3A_221 = arith.addf %mul3A_195, %mul3A_202 : vector<16xf32>
        %add3A_222 = arith.addf %mul3A_209, %mul3A_216 : vector<16xf32>
        %add3A_223 = arith.addf %add3A_219, %add3A_220 : vector<16xf32>
        %add3A_224 = arith.addf %add3A_221, %add3A_222 : vector<16xf32>
        %add3A_225 = arith.addf %add3A_223, %add3A_224 : vector<16xf32>
        tpu.vector_store_idx %arg10[%add3A_218], %add3A_225 : memref<272xf32, #tpu.memory_space<vmem>>[vector<16xi32>], vector<16xf32>,
      }
      %scan3A_105 = arith.constant 16 : i32
      %get3A = arith.constant 0 : index
      %get3A_106 = tpu.vector_load %arg10[%get3A] {strides = array<i32>} : memref<272xf32, #tpu.memory_space<vmem>>, vector<16xf32>,
      %get3A_107 = arith.constant 17 : index
      %get3A_108 = tpu.vector_load %arg10[%get3A_107] {strides = array<i32>} : memref<272xf32, #tpu.memory_space<vmem>>, vector<16xf32>,
      %get3A_109 = arith.constant 34 : index
      %get3A_110 = tpu.vector_load %arg10[%get3A_109] {strides = array<i32>} : memref<272xf32, #tpu.memory_space<vmem>>, vector<16xf32>,
      %get3A_111 = arith.constant 51 : index
      %get3A_112 = tpu.vector_load %arg10[%get3A_111] {strides = array<i32>} : memref<272xf32, #tpu.memory_space<vmem>>, vector<16xf32>,
      %get3A_113 = arith.constant 68 : index
      %get3A_114 = tpu.vector_load %arg10[%get3A_113] {strides = array<i32>} : memref<272xf32, #tpu.memory_space<vmem>>, vector<16xf32>,
      %get3A_115 = arith.constant 85 : index
      %get3A_116 = tpu.vector_load %arg10[%get3A_115] {strides = array<i32>} : memref<272xf32, #tpu.memory_space<vmem>>, vector<16xf32>,
      %get3A_117 = arith.constant 102 : index
      %get3A_118 = tpu.vector_load %arg10[%get3A_117] {strides = array<i32>} : memref<272xf32, #tpu.memory_space<vmem>>, vector<16xf32>,
      %get3A_119 = arith.constant 119 : index
      %get3A_120 = tpu.vector_load %arg10[%get3A_119] {strides = array<i32>} : memref<272xf32, #tpu.memory_space<vmem>>, vector<16xf32>,
      %get3A_121 = arith.constant 136 : index
      %get3A_122 = tpu.vector_load %arg10[%get3A_121] {strides = array<i32>} : memref<272xf32, #tpu.memory_space<vmem>>, vector<16xf32>,
      %get3A_123 = arith.constant 153 : index
      %get3A_124 = tpu.vector_load %arg10[%get3A_123] {strides = array<i32>} : memref<272xf32, #tpu.memory_space<vmem>>, vector<16xf32>,
      %get3A_125 = arith.constant 170 : index
      %get3A_126 = tpu.vector_load %arg10[%get3A_125] {strides = array<i32>} : memref<272xf32, #tpu.memory_space<vmem>>, vector<16xf32>,
      %get3A_127 = arith.constant 187 : index
      %get3A_128 = tpu.vector_load %arg10[%get3A_127] {strides = array<i32>} : memref<272xf32, #tpu.memory_space<vmem>>, vector<16xf32>,
      %get3A_129 = arith.constant 204 : index
      %get3A_130 = tpu.vector_load %arg10[%get3A_129] {strides = array<i32>} : memref<272xf32, #tpu.memory_space<vmem>>, vector<16xf32>,
      %get3A_131 = arith.constant 221 : index
      %get3A_132 = tpu.vector_load %arg10[%get3A_131] {strides = array<i32>} : memref<272xf32, #tpu.memory_space<vmem>>, vector<16xf32>,
      %get3A_133 = arith.constant 238 : index
      %get3A_134 = tpu.vector_load %arg10[%get3A_133] {strides = array<i32>} : memref<272xf32, #tpu.memory_space<vmem>>, vector<16xf32>,
      %get3A_135 = arith.constant 255 : index
      %get3A_136 = tpu.vector_load %arg10[%get3A_135] {strides = array<i32>} : memref<272xf32, #tpu.memory_space<vmem>>, vector<16xf32>,
      %add3A_137 = arith.addf %get3A_106, %get3A_108 : vector<16xf32>
      %add3A_138 = arith.addf %get3A_110, %get3A_112 : vector<16xf32>
      %add3A_139 = arith.addf %get3A_114, %get3A_116 : vector<16xf32>
      %add3A_140 = arith.addf %get3A_118, %get3A_120 : vector<16xf32>
      %add3A_141 = arith.addf %get3A_122, %get3A_124 : vector<16xf32>
      %add3A_142 = arith.addf %get3A_126, %get3A_128 : vector<16xf32>
      %add3A_143 = arith.addf %get3A_130, %get3A_132 : vector<16xf32>
      %add3A_144 = arith.addf %get3A_134, %get3A_136 : vector<16xf32>
      %add3A_145 = arith.addf %add3A_137, %add3A_138 : vector<16xf32>
      %add3A_146 = arith.addf %add3A_139, %add3A_140 : vector<16xf32>
      %add3A_147 = arith.addf %add3A_141, %add3A_142 : vector<16xf32>
      %add3A_148 = arith.addf %add3A_143, %add3A_144 : vector<16xf32>
      %add3A_149 = arith.addf %add3A_145, %add3A_146 : vector<16xf32>
      %add3A_150 = arith.addf %add3A_147, %add3A_148 : vector<16xf32>
      %add3A_151 = arith.addf %add3A_149, %add3A_150 : vector<16xf32>
      %mul3A_152 = arith.constant 16 : i32
      %mul3A_153 = arith.muli %scan3A_99, %mul3A_152 : i32
      %add3A_154 = arith.constant 256 : i32
      %add3A_155 = arith.addi %add3A_154, %mul3A_153 : i32
      %swap3A = arith.index_cast %add3A_155 : i32 to index
      %swap3A_156 = tpu.vector_load %arg9[%swap3A] {strides = array<i32>} : memref<512xf32, #tpu.memory_space<vmem>>, vector<16xf32>,
      tpu.vector_store %arg9[%swap3A], %add3A_151 {strides = array<i32>} : memref<512xf32, #tpu.memory_space<vmem>>, vector<16xf32>,
    }
    %scan3A_84 = arith.constant 8 : i32
    %dma_wait3A_85 = arith.constant 0 : i32
    %dma_wait3A_86 = tpu.memref_slice %arg2[%add3A_62, %dma_wait3A_85] : memref<16384x128xf32, #tpu.memory_space<hbm>> -> memref<128x128xf32, #tpu.memory_space<hbm>>
    %dma_wait3A_87 = arith.constant 0 : i32
    %dma_wait3A_88 = tpu.memref_slice %arg2[%add3A_62, %dma_wait3A_87] : memref<16384x128xf32, #tpu.memory_space<hbm>> -> memref<128x128xf32, #tpu.memory_space<hbm>>
    tpu.wait_dma2 semaphore(%arg12 : memref<!tpu.dma_semaphore, #tpu.memory_space<semaphore_mem>>) src(%dma_wait3A_88 : memref<128x128xf32, #tpu.memory_space<hbm>>) dst(%arg6 : memref<128x128xf32, #tpu.memory_space<vmem>>)
    %dma_wait3A_89 = arith.constant 0 : i32
    %dma_wait3A_90 = tpu.memref_slice %arg3[%add3A_62, %dma_wait3A_89] : memref<16384x128xf32, #tpu.memory_space<hbm>> -> memref<128x128xf32, #tpu.memory_space<hbm>>
    %dma_wait3A_91 = arith.constant 0 : i32
    %dma_wait3A_92 = tpu.memref_slice %arg3[%add3A_62, %dma_wait3A_91] : memref<16384x128xf32, #tpu.memory_space<hbm>> -> memref<128x128xf32, #tpu.memory_space<hbm>>
    tpu.wait_dma2 semaphore(%arg12 : memref<!tpu.dma_semaphore, #tpu.memory_space<semaphore_mem>>) src(%dma_wait3A_92 : memref<128x128xf32, #tpu.memory_space<hbm>>) dst(%arg8 : memref<128x128xf32, #tpu.memory_space<vmem>>)
    %scan3A_93 = arith.constant 0 : i32
    %scan3A_94 = arith.constant 0 : i32
    %scan3A_95 = arith.constant 8 : i32
    %scan3A_96 = arith.addi %scan3A_94, %scan3A_95 : i32
    %scan3A_97 = arith.constant 1 : i32
    scf.for %scan3A_99 = %scan3A_94 to %scan3A_96 step %scan3A_97  : i32 {
      %scan3A_100 = arith.constant 0 : i32
      %scan3A_101 = arith.constant 0 : i32
      %scan3A_102 = arith.constant 16 : i32
      %scan3A_103 = arith.addi %scan3A_101, %scan3A_102 : i32
      %scan3A_104 = arith.constant 1 : i32
      scf.for %scan3A_157 = %scan3A_101 to %scan3A_103 step %scan3A_104  : i32 {
        %mul3A_158 = arith.constant 16 : i32
        %mul3A_159 = arith.muli %scan3A_99, %mul3A_158 : i32
        %add3A_160 = arith.addi %mul3A_159, %scan3A_157 : i32
        %get3A_161 = arith.index_cast %add3A_160 : i32 to index
        %get3A_162 = arith.constant 0 : index
        %get3A_163 = tpu.vector_load %arg6[%get3A_161, %get3A_162] {strides = array<i32>} : memref<128x128xf32, #tpu.memory_space<vmem>>, vector<16xf32>,
        %get3A_164 = arith.index_cast %add3A_160 : i32 to index
        %get3A_165 = arith.constant 0 : index
        %get3A_166 = tpu.vector_load %arg8[%get3A_164, %get3A_165] {strides = array<i32>} : memref<128x128xf32, #tpu.memory_space<vmem>>, vector<16xf32>,
        %mul3A_167 = arith.mulf %get3A_163, %get3A_166 : vector<16xf32>
        %get3A_168 = arith.index_cast %add3A_160 : i32 to index
        %get3A_169 = arith.constant 16 : index
        %get3A_170 = tpu.vector_load %arg6[%get3A_168, %get3A_169] {strides = array<i32>} : memref<128x128xf32, #tpu.memory_space<vmem>>, vector<16xf32>,
        %get3A_171 = arith.index_cast %add3A_160 : i32 to index
        %get3A_172 = arith.constant 16 : index
        %get3A_173 = tpu.vector_load %arg8[%get3A_171, %get3A_172] {strides = array<i32>} : memref<128x128xf32, #tpu.memory_space<vmem>>, vector<16xf32>,
        %mul3A_174 = arith.mulf %get3A_170, %get3A_173 : vector<16xf32>
        %get3A_175 = arith.index_cast %add3A_160 : i32 to index
        %get3A_176 = arith.constant 32 : index
        %get3A_177 = tpu.vector_load %arg6[%get3A_175, %get3A_176] {strides = array<i32>} : memref<128x128xf32, #tpu.memory_space<vmem>>, vector<16xf32>,
        %get3A_178 = arith.index_cast %add3A_160 : i32 to index
        %get3A_179 = arith.constant 32 : index
        %get3A_180 = tpu.vector_load %arg8[%get3A_178, %get3A_179] {strides = array<i32>} : memref<128x128xf32, #tpu.memory_space<vmem>>, vector<16xf32>,
        %mul3A_181 = arith.mulf %get3A_177, %get3A_180 : vector<16xf32>
        %get3A_182 = arith.index_cast %add3A_160 : i32 to index
        %get3A_183 = arith.constant 48 : index
        %get3A_184 = tpu.vector_load %arg6[%get3A_182, %get3A_183] {strides = array<i32>} : memref<128x128xf32, #tpu.memory_space<vmem>>, vector<16xf32>,
        %get3A_185 = arith.index_cast %add3A_160 : i32 to index
        %get3A_186 = arith.constant 48 : index
        %get3A_187 = tpu.vector_load %arg8[%get3A_185, %get3A_186] {strides = array<i32>} : memref<128x128xf32, #tpu.memory_space<vmem>>, vector<16xf32>,
        %mul3A_188 = arith.mulf %get3A_184, %get3A_187 : vector<16xf32>
        %get3A_189 = arith.index_cast %add3A_160 : i32 to index
        %get3A_190 = arith.constant 64 : index
        %get3A_191 = tpu.vector_load %arg6[%get3A_189, %get3A_190] {strides = array<i32>} : memref<128x128xf32, #tpu.memory_space<vmem>>, vector<16xf32>,
        %get3A_192 = arith.index_cast %add3A_160 : i32 to index
        %get3A_193 = arith.constant 64 : index
        %get3A_194 = tpu.vector_load %arg8[%get3A_192, %get3A_193] {strides = array<i32>} : memref<128x128xf32, #tpu.memory_space<vmem>>, vector<16xf32>,
        %mul3A_195 = arith.mulf %get3A_191, %get3A_194 : vector<16xf32>
        %get3A_196 = arith.index_cast %add3A_160 : i32 to index
        %get3A_197 = arith.constant 80 : index
        %get3A_198 = tpu.vector_load %arg6[%get3A_196, %get3A_197] {strides = array<i32>} : memref<128x128xf32, #tpu.memory_space<vmem>>, vector<16xf32>,
        %get3A_199 = arith.index_cast %add3A_160 : i32 to index
        %get3A_200 = arith.constant 80 : index
        %get3A_201 = tpu.vector_load %arg8[%get3A_199, %get3A_200] {strides = array<i32>} : memref<128x128xf32, #tpu.memory_space<vmem>>, vector<16xf32>,
        %mul3A_202 = arith.mulf %get3A_198, %get3A_201 : vector<16xf32>
        %get3A_203 = arith.index_cast %add3A_160 : i32 to index
        %get3A_204 = arith.constant 96 : index
        %get3A_205 = tpu.vector_load %arg6[%get3A_203, %get3A_204] {strides = array<i32>} : memref<128x128xf32, #tpu.memory_space<vmem>>, vector<16xf32>,
        %get3A_206 = arith.index_cast %add3A_160 : i32 to index
        %get3A_207 = arith.constant 96 : index
        %get3A_208 = tpu.vector_load %arg8[%get3A_206, %get3A_207] {strides = array<i32>} : memref<128x128xf32, #tpu.memory_space<vmem>>, vector<16xf32>,
        %mul3A_209 = arith.mulf %get3A_205, %get3A_208 : vector<16xf32>
        %get3A_210 = arith.index_cast %add3A_160 : i32 to index
        %get3A_211 = arith.constant 112 : index
        %get3A_212 = tpu.vector_load %arg6[%get3A_210, %get3A_211] {strides = array<i32>} : memref<128x128xf32, #tpu.memory_space<vmem>>, vector<16xf32>,
        %get3A_213 = arith.index_cast %add3A_160 : i32 to index
        %get3A_214 = arith.constant 112 : index
        %get3A_215 = tpu.vector_load %arg8[%get3A_213, %get3A_214] {strides = array<i32>} : memref<128x128xf32, #tpu.memory_space<vmem>>, vector<16xf32>,
        %mul3A_216 = arith.mulf %get3A_212, %get3A_215 : vector<16xf32>
        %add3A_217 = vector.broadcast %scan3A_157 : i32 to vector<16xi32>
        %add3A_218 = arith.addi %mul3A_5, %add3A_217 : vector<16xi32>
        %add3A_219 = arith.addf %mul3A_167, %mul3A_174 : vector<16xf32>
        %add3A_220 = arith.addf %mul3A_181, %mul3A_188 : vector<16xf32>
        %add3A_221 = arith.addf %mul3A_195, %mul3A_202 : vector<16xf32>
        %add3A_222 = arith.addf %mul3A_209, %mul3A_216 : vector<16xf32>
        %add3A_223 = arith.addf %add3A_219, %add3A_220 : vector<16xf32>
        %add3A_224 = arith.addf %add3A_221, %add3A_222 : vector<16xf32>
        %add3A_225 = arith.addf %add3A_223, %add3A_224 : vector<16xf32>
        tpu.vector_store_idx %arg10[%add3A_218], %add3A_225 : memref<272xf32, #tpu.memory_space<vmem>>[vector<16xi32>], vector<16xf32>,
      }
      %scan3A_105 = arith.constant 16 : i32
      %get3A = arith.constant 0 : index
      %get3A_106 = tpu.vector_load %arg10[%get3A] {strides = array<i32>} : memref<272xf32, #tpu.memory_space<vmem>>, vector<16xf32>,
      %get3A_107 = arith.constant 17 : index
      %get3A_108 = tpu.vector_load %arg10[%get3A_107] {strides = array<i32>} : memref<272xf32, #tpu.memory_space<vmem>>, vector<16xf32>,
      %get3A_109 = arith.constant 34 : index
      %get3A_110 = tpu.vector_load %arg10[%get3A_109] {strides = array<i32>} : memref<272xf32, #tpu.memory_space<vmem>>, vector<16xf32>,
      %get3A_111 = arith.constant 51 : index
      %get3A_112 = tpu.vector_load %arg10[%get3A_111] {strides = array<i32>} : memref<272xf32, #tpu.memory_space<vmem>>, vector<16xf32>,
      %get3A_113 = arith.constant 68 : index
      %get3A_114 = tpu.vector_load %arg10[%get3A_113] {strides = array<i32>} : memref<272xf32, #tpu.memory_space<vmem>>, vector<16xf32>,
      %get3A_115 = arith.constant 85 : index
      %get3A_116 = tpu.vector_load %arg10[%get3A_115] {strides = array<i32>} : memref<272xf32, #tpu.memory_space<vmem>>, vector<16xf32>,
      %get3A_117 = arith.constant 102 : index
      %get3A_118 = tpu.vector_load %arg10[%get3A_117] {strides = array<i32>} : memref<272xf32, #tpu.memory_space<vmem>>, vector<16xf32>,
      %get3A_119 = arith.constant 119 : index
      %get3A_120 = tpu.vector_load %arg10[%get3A_119] {strides = array<i32>} : memref<272xf32, #tpu.memory_space<vmem>>, vector<16xf32>,
      %get3A_121 = arith.constant 136 : index
      %get3A_122 = tpu.vector_load %arg10[%get3A_121] {strides = array<i32>} : memref<272xf32, #tpu.memory_space<vmem>>, vector<16xf32>,
      %get3A_123 = arith.constant 153 : index
      %get3A_124 = tpu.vector_load %arg10[%get3A_123] {strides = array<i32>} : memref<272xf32, #tpu.memory_space<vmem>>, vector<16xf32>,
      %get3A_125 = arith.constant 170 : index
      %get3A_126 = tpu.vector_load %arg10[%get3A_125] {strides = array<i32>} : memref<272xf32, #tpu.memory_space<vmem>>, vector<16xf32>,
      %get3A_127 = arith.constant 187 : index
      %get3A_128 = tpu.vector_load %arg10[%get3A_127] {strides = array<i32>} : memref<272xf32, #tpu.memory_space<vmem>>, vector<16xf32>,
      %get3A_129 = arith.constant 204 : index
      %get3A_130 = tpu.vector_load %arg10[%get3A_129] {strides = array<i32>} : memref<272xf32, #tpu.memory_space<vmem>>, vector<16xf32>,
      %get3A_131 = arith.constant 221 : index
      %get3A_132 = tpu.vector_load %arg10[%get3A_131] {strides = array<i32>} : memref<272xf32, #tpu.memory_space<vmem>>, vector<16xf32>,
      %get3A_133 = arith.constant 238 : index
      %get3A_134 = tpu.vector_load %arg10[%get3A_133] {strides = array<i32>} : memref<272xf32, #tpu.memory_space<vmem>>, vector<16xf32>,
      %get3A_135 = arith.constant 255 : index
      %get3A_136 = tpu.vector_load %arg10[%get3A_135] {strides = array<i32>} : memref<272xf32, #tpu.memory_space<vmem>>, vector<16xf32>,
      %add3A_137 = arith.addf %get3A_106, %get3A_108 : vector<16xf32>
      %add3A_138 = arith.addf %get3A_110, %get3A_112 : vector<16xf32>
      %add3A_139 = arith.addf %get3A_114, %get3A_116 : vector<16xf32>
      %add3A_140 = arith.addf %get3A_118, %get3A_120 : vector<16xf32>
      %add3A_141 = arith.addf %get3A_122, %get3A_124 : vector<16xf32>
      %add3A_142 = arith.addf %get3A_126, %get3A_128 : vector<16xf32>
      %add3A_143 = arith.addf %get3A_130, %get3A_132 : vector<16xf32>
      %add3A_144 = arith.addf %get3A_134, %get3A_136 : vector<16xf32>
      %add3A_145 = arith.addf %add3A_137, %add3A_138 : vector<16xf32>
      %add3A_146 = arith.addf %add3A_139, %add3A_140 : vector<16xf32>
      %add3A_147 = arith.addf %add3A_141, %add3A_142 : vector<16xf32>
      %add3A_148 = arith.addf %add3A_143, %add3A_144 : vector<16xf32>
      %add3A_149 = arith.addf %add3A_145, %add3A_146 : vector<16xf32>
      %add3A_150 = arith.addf %add3A_147, %add3A_148 : vector<16xf32>
      %add3A_151 = arith.addf %add3A_149, %add3A_150 : vector<16xf32>
      %mul3A_152 = arith.constant 16 : i32
      %mul3A_153 = arith.muli %scan3A_99, %mul3A_152 : i32
      %add3A_154 = arith.constant 384 : i32
      %add3A_155 = arith.addi %add3A_154, %mul3A_153 : i32
      %swap3A = arith.index_cast %add3A_155 : i32 to index
      %swap3A_156 = tpu.vector_load %arg9[%swap3A] {strides = array<i32>} : memref<512xf32, #tpu.memory_space<vmem>>, vector<16xf32>,
      tpu.vector_store %arg9[%swap3A], %add3A_151 {strides = array<i32>} : memref<512xf32, #tpu.memory_space<vmem>>, vector<16xf32>,
    }
    %scan3A_98 = arith.constant 8 : i32
    "tpu.region"() ({
      %run_scoped3A = tpu.sem_alloc : memref<!tpu.dma_semaphore, #tpu.memory_space<semaphore_mem>>
      %dma_start3A_99 = tpu.memref_slice %arg4[%mul3A_2] : memref<16384xf32, #tpu.memory_space<hbm>> -> memref<512xf32, #tpu.memory_space<hbm>>
      %dma_start3A_100 = tpu.memref_slice %arg4[%mul3A_2] : memref<16384xf32, #tpu.memory_space<hbm>> -> memref<512xf32, #tpu.memory_space<hbm>>
      tpu.enqueue_dma source(%arg9 : memref<512xf32, #tpu.memory_space<vmem>>) target(%dma_start3A_100 : memref<512xf32, #tpu.memory_space<hbm>>) target_semaphore(%run_scoped3A : memref<!tpu.dma_semaphore, #tpu.memory_space<semaphore_mem>>)
      %dma_wait3A_101 = tpu.memref_slice %arg4[%mul3A_2] : memref<16384xf32, #tpu.memory_space<hbm>> -> memref<512xf32, #tpu.memory_space<hbm>>
      %dma_wait3A_102 = tpu.memref_slice %arg4[%mul3A_2] : memref<16384xf32, #tpu.memory_space<hbm>> -> memref<512xf32, #tpu.memory_space<hbm>>
      tpu.wait_dma2 semaphore(%run_scoped3A : memref<!tpu.dma_semaphore, #tpu.memory_space<semaphore_mem>>) src(%arg9 : memref<512xf32, #tpu.memory_space<vmem>>) dst(%dma_wait3A_102 : memref<512xf32, #tpu.memory_space<hbm>>)
      tpu.yield
    }) : () -> ()
    return
  }
}

</mosaic_0001>

<sc_bundles>
// kernel: kernel.3.cloned.1.call-start
scs
__scs_entry_jumppad:
0x0: {  	(pc) =	sbr.rel $0x88, $3  }
0x1: {  	(tag) =	ssettag $0x0;
	lr =	simm.s32 $0x1  }
0x2: {  	[smem:$0x3F9F] =	sst lr;
	_ =	strace $0xD0000000  }
0x3: {  	_ = 	snop  }
0x4: {  	_ = 	snop  }
0x5: {  	_ = 	snop  }
0x6: {  	_ = 	snop  }
0x7: {  	_ = 	snop  }
__scs_overlays_trampoline_lowered:
0x8: {  	[smem:$0x3FAE] =	sst s0  }
0x9: {  	[smem:$0x3FAF] =	sst s1  }
0xa: {  	[smem:$0x3FB0] =	sst s2  }
0xb: {  	[smem:$0x3FB1] =	sst s3  }
0xc: {  	[smem:$0x3FB2] =	sst s4  }
0xd: {  	[smem:$0x3FB3] =	sst s5  }
0xe: {  	[smem:$0x3FB4] =	sst s6  }
0xf: {  	[smem:$0x3FB5] =	sst s7  }
0x10: {  	[smem:$0x3FB6] =	sst s8  }
0x11: {  	[smem:$0x3FB7] =	sst s9;
	s0 =	simm.s32 @!p0 $0x0  }
0x12: {  	s1 =	sld [smem:$0x3F9D];
	s0 =	simm.s32 @p0 $0x1  }
0x13: {  	[smem:$0x3FB8] =	sst s0;
	s0 =	simm.s32 @!p1 $0x0  }
0x14: {  	s2 =	sld [smem:$0x3F9C];
	s0 =	simm.s32 @p1 $0x1  }
0x15: {  	[smem:$0x3FB9] =	sst s0;
	s0 =	simm.s32 @!p2 $0x0  }
0x16: {  	s3 =	sld [smem:$0x3FDB];
	s0 =	simm.s32 @p2 $0x1  }
0x17: {  	s4 =	simm.s32 $0x1BF5;
	[smem:$0x3FBB] =	sst s0  }
0x18: {  	s0 =	sld [smem:$0x3F9E];
	_ =	swait.ge [sflag:s4], $0x0  }
0x19: {  	s7 =	sld [smem:$0x3F9F]  }
0x1a: {  	s8 =	sadd.s32 $0xFFFFE003, lr  }
0x1b: {  	s9 =	sadd.s32 $0xFFFFFEF7, lr;
	s5 =	simm.s32 $0xFFFFFFFF;
	p2 =	slt.u32 s8, $0xFFFFF086  }
0x1c: {  	p1 =	slt.u32 s9, $0xF7A;
	s5 =	simm.s32 @!p2 $0x0  }
0x1d: {  	s5 =	simm.s32 @p1 $0x1;
	p0 =	seq.s32 s7, s2  }
0x1e: {  	s7 =	smul.u32 @!p0 $0xF7A, s2;
	p2 =	seq.s32 @!p0 s5, $0x0  }
0x1f: {  	s9 =	smul.u32 $0xF7A, s1;
	s8 =	simm.s32 @!p0 $0x1BF5;
	p2 =	por !p2, p0  }
0x20: {  	[sflag:s8] =	ssyncset.s32 @!p0 $0xFFFFF086;
	s6 =	sadd.s32 @!p0 s3, s7;
	s7 =	simm.s32 @!p0 $0x108  }
0x21: {  	s3 =	sadd.s32 s3, s9;
	s6 =	sadd.s32 @!p0 $0x88, s6;
	s7 =	simm.s32 @p2 $0x1082  }
0x22: {  	[simem:s7], [sflag:s8] =	dma.local @!p0 [hbm:s6], $0xF7A  }
0x23: {  	s9 =	sor.u32 $0xD0000000, s2;
	s6 =	simm.s32 $0x108;
	_ =	swait.ge @!p0 [sflag:s8], $0x0  }
0x24: {  	s3 =	sadd.s32 $0x88, s3;
	s6 =	simm.s32 @!p1 $0x1082;
	[sflag:s4] =	ssyncset.s32 $0xFFFFF086  }
0x25: {  	[simem:s6], [sflag:s4] =	dma.local [hbm:s3], $0xF7A  }
0x26: {  	[smem:$0x3F9F] =	sst s1;
	(tag) =	ssettag s2;
	_ =	strace s9  }
0x27: {  	s1 =	sld [smem:$0x3FAF]  }
0x28: {  	s2 =	sld [smem:$0x3FB0]  }
0x29: {  	s4 =	sld [smem:$0x3FB2]  }
0x2a: {  	p0 =	seq.s32 s5, $0x0;
	s5 =	sld [smem:$0x3FB3]  }
0x2b: {  	s6 =	sld [smem:$0x3FB4]  }
0x2c: {  	s7 =	sld [smem:$0x3FB5]  }
0x2d: {  	s3 =	simm.s32 $0x108;
	s8 =	sld [smem:$0x3FB6]  }
0x2e: {  	s3 =	simm.s32 @!p0 $0x1082;
	s9 =	sld [smem:$0x3FB7]  }
0x2f: {  	lr =	sadd.s32 s0, s3;
	s0 =	sld [smem:$0x3FAE]  }
0x30: {  	s3 =	sld [smem:$0x3FB1]  }
0x31: {  	[smem:$0x3FBA] =	sst s10  }
0x32: {  	s10 =	sld [smem:$0x3FB8];
	_ =	sdelay $0x3  }
0x33: {  	p0 =	seq.s32 s10, $0x1;
	s10 =	sld [smem:$0x3FBA];
	_ =	sdelay $0x3  }
0x34: {  	[smem:$0x3FBA] =	sst s10  }
0x35: {  	s10 =	sld [smem:$0x3FB9];
	_ =	sdelay $0x3  }
0x36: {  	p1 =	seq.s32 s10, $0x1;
	s10 =	sld [smem:$0x3FBA];
	_ =	sdelay $0x3  }
0x37: {  	[smem:$0x3FBA] =	sst s10  }
0x38: {  	s10 =	sld [smem:$0x3FBB]  }
0x39: {  	_ = 	snop;
	(pc) =	sbr.ind lr, $3  }
0x3a: {  	_ = 	snop  }
0x3b: {  	_ = 	snop  }
0x3c: {  	p2 =	seq.s32 s10, $0x1;
	s10 =	sld [smem:$0x3FBA]  }
0x3d: {  	_ =	shalt  }
0x3e: {  	_ =	shalt  }
0x3f: {  	_ =	shalt  }
0x40: {  	_ =	shalt  }
0x41: {  	_ =	shalt  }
0x42: {  	_ =	shalt  }
0x43: {  	_ =	shalt  }
0x44: {  	_ =	shalt  }
0x45: {  	_ =	shalt  }
0x46: {  	_ =	shalt  }
0x47: {  	_ =	shalt  }
0x48: {  	_ =	shalt  }
0x49: {  	_ =	shalt  }
0x4a: {  	_ =	shalt  }
0x4b: {  	_ =	shalt  }
0x4c: {  	_ =	shalt  }
0x4d: {  	_ =	shalt  }
0x4e: {  	_ =	shalt  }
0x4f: {  	_ =	shalt  }
0x50: {  	_ =	shalt  }
0x51: {  	_ =	shalt  }
0x52: {  	_ =	shalt  }
0x53: {  	_ =	shalt  }
0x54: {  	_ =	shalt  }
0x55: {  	_ =	shalt  }
0x56: {  	_ =	shalt  }
0x57: {  	_ =	shalt  }
0x58: {  	_ =	shalt  }
0x59: {  	_ =	shalt  }
0x5a: {  	_ =	shalt  }
0x5b: {  	_ =	shalt  }
0x5c: {  	_ =	shalt  }
0x5d: {  	_ =	shalt  }
0x5e: {  	_ =	shalt  }
0x5f: {  	_ =	shalt  }
0x60: {  	_ =	shalt  }
0x61: {  	_ =	shalt  }
0x62: {  	_ =	shalt  }
0x63: {  	_ =	shalt  }
0x64: {  	_ =	shalt  }
0x65: {  	_ =	shalt  }
0x66: {  	_ =	shalt  }
0x67: {  	_ =	shalt  }
0x68: {  	_ =	shalt  }
0x69: {  	_ =	shalt  }
0x6a: {  	_ =	shalt  }
0x6b: {  	_ =	shalt  }
0x6c: {  	_ =	shalt  }
0x6d: {  	_ =	shalt  }
0x6e: {  	_ =	shalt  }
0x6f: {  	_ =	shalt  }
0x70: {  	_ =	shalt  }
0x71: {  	_ =	shalt  }
0x72: {  	_ =	shalt  }
0x73: {  	_ =	shalt  }
0x74: {  	_ =	shalt  }
0x75: {  	_ =	shalt  }
0x76: {  	_ =	shalt  }
0x77: {  	_ =	shalt  }
0x78: {  	_ =	shalt  }
0x79: {  	_ =	shalt  }
0x7a: {  	_ =	shalt  }
0x7b: {  	_ =	shalt  }
0x7c: {  	_ =	shalt  }
0x7d: {  	_ =	shalt  }
0x7e: {  	_ =	shalt  }
0x7f: {  	_ =	shalt  }
0x80: {  	_ =	shalt  }
0x81: {  	_ =	shalt  }
0x82: {  	_ =	shalt  }
0x83: {  	_ =	shalt  }
0x84: {  	_ =	shalt  }
0x85: {  	_ =	shalt  }
0x86: {  	_ =	shalt  }
0x87: {  	_ =	shalt  }
.Lfunc_end0:
.L_simem_size_0:
called_computation_lowered:
.L_overlay_start_0:
0x88: {  	s2 =	sld [smem:$0x3FD9]  }
0x89: {  	s3 =	sld [smem:$0x3FFE];
	_ =	sdelay $0x1  }
0x8a: {  	s1 =	srdreg.scid  }
0x8b: {  	s0 =	sand.u32 $0x1, s1  }
0x8c: {  	s18 =	sshll.u32 s0, $0xA;
	s2 =	sadd.s32 s3, s2  }
0x8d: {  	s2 =	sadd.s32 s2, s18  }
0x8e: {  	[smem:$0x3FC6] =	sst s2  }
0x8f: {  	_ = 	snop  }
0x90: {  	s2 =	sld [smem:$0x3FC9]  }
0x91: {  	s19 =	sld [smem:$0x3FC8]  }
0x92: {  	s4 =	sld [smem:$0x3FD0];
	(tm) =	ssettm $0x1  }
0x93: {  	s5 =	sld [smem:$0x3FFB];
	_ =	sdelay $0x3  }
0x94: {  	_ =	strace s5  }
0x95: {  	s5 =	sld [smem:$0x3FFC];
	_ =	sdelay $0x3  }
0x96: {  	_ =	strace s5  }
0x97: {  	s5 =	sld [smem:$0x3FFD];
	_ =	sdelay $0x3  }
0x98: {  	_ =	strace s5  }
0x99: {  	_ =	strace $0x8FFFFFFF  }
0x9a: {  	s20 =	sld [smem:$0x3FDB];
	_ =	sdelay $0x1  }
0x9b: {  	s6 =	simm.s32 $_scs_section_size  }
0x9c: {  	s7 =	simm.s32 $_size__tile_overlayer_lowered;
	s8 =	simm.s32 $_tile_overlayer_lowered  }
0x9d: {  	s23 =	simm.s32 $0x1BFF;
	s22 =	sshll.u32 s8, $0x1;
	s5 =	sadd.s32 s6, s20  }
0x9e: {  	s9 =	simm.s32 $0x0;
	s21 =	sshll.u32 s7, $0x1;
	s7 =	sadd.s32 s22, s5  }
0x9f: {  	[timem:s9], [sflag:s23] =	dma.local [hbm:s7], s21  }
0xa0: {  	_ =	swait.ge [sflag:s23], s21  }
0xa1: {  	s6 =	ssub.s32 $0x0, s21;
	[sflag:s23] =	ssyncset.done $0x0  }
0xa2: {  	[sflag:s23] =	ssyncadd.s32 s6;
	_ =	sdelay $0x1  }
0xa3: {  	s24 =	simm.s32 $0x1B8B  }
0xa4: {  	_ =	swait.ge [sflag:s24], $0x1  }
0xa5: {  	[sflag:s24] =	ssyncset.done $0x0  }
0xa6: {  	s25 =	simm.s32 $0x1B8E;
	[sflag:s24] =	ssyncadd.s32 $0xFFFFFFFF  }
0xa7: {  	s26 =	simm.s32 $execute0_lowered;
	[smem:$0x3FD2] =	sst s25  }
0xa8: {  	s6 =	sshll.u32 s26, $0x1;
	_ =	strace $0x80000046;
	[dreg:$0x1] =	wrdreg $0xFFFFFFFF  }
0xa9: {  	s28 =	simm.s32 $_size_execute0_lowered;
	s5 =	sadd.s32 s5, s6;
	[dreg:$0x0] =	wrdreg $0x0  }
0xaa: {  	s6 =	sshll.u32 s28, $0x1;
	[dreg:$0x2] =	wrdreg s5  }
0xab: {  	[dreg:$0x3] =	wrdreg s6  }
0xac: {  	[dreg:$0x4] =	wrdreg $0xC0  }
0xad: {  	_ =	task [dreg:s9], $0x5FFFF  }
0xae: {  	[dreg:$0x1] =	wrdreg $0xFFFFFFFF  }
0xaf: {  	[dreg:$0x0] =	wrdreg $0x60  }
0xb0: {  	[dreg:$0x2] =	wrdreg s2  }
0xb1: {  	[dreg:$0x3] =	wrdreg s19  }
0xb2: {  	[dreg:$0x4] =	wrdreg s4  }
0xb3: {  	[dreg:$0x5] =	wrdreg $0x9  }
0xb4: {  	_ =	task.clear_ibuf [dreg:s9], $0x6FFFF;
	_ =	strace $0x90000046  }
0xb5: {  	s29 =	simm.s32 $0x9;
	_ =	strace $0x80000048  }
0xb6: {  	_ =	swait.ge [sflag:s29], $0x1  }
0xb7: {  	[sflag:s29] =	ssyncadd.s32 $0xFFFFFFFF  }
0xb8: {  	_ =	strace $0x90000048  }
0xb9: {  	_ =	sfence  }
0xba: {  	s30 =	sld [smem:$0x0];
	_ =	sdelay $0x2  }
0xbb: {  	s31 =	sshll.u32 s1, $0xD;
	s1 =	sshrl.u32 s1, $0x2  }
0xbc: {  	s3 =	sand.u32 $0x4000, s31;
	s1 =	sadd.s32 s1, s30  }
0xbd: {  	s0 =	sor.u32 s3, s0;
	s1 =	sshll.u32 s1, $0x11  }
0xbe: {  	s0 =	sor.u32 s1, s0  }
0xbf: {  	s0 =	sadd.s32 $0x8F2B, s0  }
0xc0: {  	[sflag:s0] =	ssyncadd.remote.s32 $0x1  }
0xc1: {  	_ =	sfence.sel $0xFFFF  }
0xc2: {  	[dreg:$0x0] =	wrdreg $0xFFFFFFFF;
	(pc) =	sbr.abs _section_cstart, $3  }
0xc3: {  	[dreg:$0x1] =	wrdreg $0xFFFFFFFF  }
0xc4: {  	_ =	task.clear_ibuf [dreg:s9], $0x2FFFF;
	_ =	strace $0x9FFFFFFF  }
0xc5: {  	(tm) =	ssettm $0x7FFFFFFF  }
tec
execute0_lowered:
.L_overlay_start_1:
0x0: {  	(tag) =	ssettag $0x1  }
0x1: {  	s9 =	rddreg [dreg:$0x0]  }
0x2: {  	s10 =	rddreg [dreg:$0x1]  }
0x3: {  	s11 =	rddreg [dreg:$0x2];
	s2 =	srdreg.scid  }
0x4: {  	s0 =	rddreg [dreg:$0x3];
	s1 =	stileid.u32;
	s16 =	simm.s32 $0x1  }
0x5: {  	s17 =	simm.s32 $0x10200;
	s18 =	simm.s32 $0x2;
	s19 =	simm.s32 $0x10000  }
0x6: {  	s20 =	simm.s32 $0x3;
	s21 =	simm.s32 $0x0;
	s3 =	sand.u32 $0x1, s2  }
0x7: {  	s2 =	simm.s32 $0x0;
	s4 =	sshll.u32 s1, $0xA;
	s5 =	sshll.u32 s3, $0x9  }
0x8: {  	[smem:$0x7FF] =	sst s2;
	s3 =	ssub.s32 $0x2, s3;
	s12 =	sor.u32 s5, s4  }
0x9: {  	_ =	strace $0x80000047;
	s31 =	sshrl.u32 s3, $0x1;
	s8 =	sshll.u32 s12, $0x4  }
0xa: {  	s13 =	ssub.s32 s3, s31;
	s12 =	sshrl.u32 s12, $0x3;
	s3 =	sadd.s32 s9, s8  }
0xb: {  	s6 =	sor.u32 $0x800, s8;
	s4 =	sadd.s32 s10, s8;
	s14 =	sor.u32 $0x1000, s8  }
0xc: {  	s15 =	sor.u32 $0x1800, s8;
	s11 =	sadd.s32 s11, s12;
	s12 =	smax.u32 s13, $0x1  }
0xd: {  	s13 =	simm.s32 $0x8000;
	s5 =	sadd.s32 s9, s6;
	s6 =	sadd.s32 s10, s6  }
0xe: {  	v0 =	vlaneseq.u32;
	s7 =	sadd.s32 s9, s14;
	s8 =	sadd.s32 s10, s14;
	s9 =	sadd.s32 s9, s15  }
0xf: {  	v0 =	vmul.u32 $0x11, v0;
	s10 =	sadd.s32 s10, s15;
	s14 =	simm.s32 $0x4000;
	s15 =	simm.s32 $0xC000  }
.LBB2_1:
0x10: {  	[tilespmem:s2], [sflag:$0x1] =	stream.linear.gather [hbm4b:s3+s2], $0x4000, $0x38;
	[tilespmem:$0x10380] =	vst v63  }
0x11: {  	_ = 	snop  }
0x12: {  	[tilespmem:s13], [sflag:$0x1] =	stream.linear.gather [hbm4b:s4+s2], $0x4000, $0x38;
	[tilespmem:$0x10380] =	vst v63  }
0x13: {  	_ = 	snop  }
0x14: {  	[tilespmem:s14], [sflag:$0x2] =	stream.linear.gather [hbm4b:s5+s2], $0x4000, $0x38;
	[tilespmem:$0x10380] =	vst v63  }
0x15: {  	_ = 	snop  }
0x16: {  	[tilespmem:s15], [sflag:$0x2] =	stream.linear.gather [hbm4b:s6+s2], $0x4000, $0x38;
	[tilespmem:$0x10380] =	vst v63  }
0x17: {  	_ =	swait.ge [sflag:s16], $0x4000  }
0x18: {  	[sflag:s16] =	ssyncset.done $0x0  }
0x19: {  	[sflag:s16] =	ssyncadd.s32 $0xFFFFC000  }
0x1a: {  	_ =	swait.ge [sflag:s16], $0x4000  }
0x1b: {  	s22 =	simm.s32 $0x40;
	[sflag:s16] =	ssyncset.done $0x0  }
0x1c: {  	s23 =	simm.s32 $0x8040;
	s24 =	simm.s32 $0x0;
	[sflag:s16] =	ssyncadd.s32 $0xFFFFC000  }
.LBB2_2:
0x1d: {  	v1 =	vld [tilespmem:s23+$0xFFFFFFC0]  }
0x1e: {  	v2 =	vld [tilespmem:s22+$0xFFFFFFC0]  }
0x1f: {  	v3 =	vld [tilespmem:s22+$0xFFFFFFD0]  }
0x20: {  	v4 =	vld [tilespmem:s23+$0xFFFFFFD0]  }
0x21: {  	v5 =	vld [tilespmem:s22+$0xFFFFFFE0]  }
0x22: {  	v6 =	vld [tilespmem:s23+$0xFFFFFFE0]  }
0x23: {  	v7 =	vld [tilespmem:s22+$0xFFFFFFF0]  }
0x24: {  	v8 =	vld [tilespmem:s23+$0xFFFFFFF0]  }
0x25: {  	v9 =	vld [tilespmem:s22+$0x0]  }
0x26: {  	v10 =	vld [tilespmem:s23+$0x0]  }
0x27: {  	v11 =	vld [tilespmem:s22+$0x10]  }
0x28: {  	v12 =	vld [tilespmem:s23+$0x10]  }
0x29: {  	v13 =	vld [tilespmem:s22+$0x20]  }
0x2a: {  	v14 =	vld [tilespmem:s23+$0x20]  }
0x2b: {  	v15 =	vld [tilespmem:s22+$0x30];
	s25 =	simm.s32 $0x0  }
0x2c: {  	v16 =	vld [tilespmem:s23+$0x30];
	s26 =	simm.s32 $0x1;
	s28 =	smov.u32 s23;
	s29 =	smov.u32 s22  }
.LBB2_3:
0x2d: {  	p0 =	sne.s32 s26, $0xF  }
0x2e: {  	v1 =	vmul.f32 v1, v2;
	v2 =	vmul.f32 v4, v3  }
0x2f: {  	v3 =	vmul.f32 v6, v5;
	v4 =	vmul.f32 v8, v7  }
0x30: {  	v5 =	vmul.f32 v10, v9;
	v6 =	vmul.f32 v12, v11  }
0x31: {  	v7 =	vmul.f32 v14, v13;
	v8 =	vmul.f32 v16, v15  }
0x32: {  	v1 =	vadd.f32 v2, v1;
	v2 =	vadd.f32 v4, v3  }
0x33: {  	v3 =	vadd.f32 v6, v5;
	v4 =	vadd.f32 v8, v7  }
0x34: {  	v5 =	vadd.s32 s25, v0;
	s25 =	smov.u32 s26  }
0x35: {  	v1 =	vadd.f32 v2, v1;
	v2 =	vadd.f32 v4, v3;
	_ =	sdelay $0x1  }
0x36: {  	v1 =	vadd.f32 v2, v1;
	_ =	sdelay $0x1  }
0x37: {  	s28 =	sadd.s32 $0x80, s28;
	[tilespmem:v5+s17+$0x0] =	vst.idx.msk $0xffff, v1  }
0x38: {  	s29 =	sadd.s32 $0x80, s29;
	v1 =	vld [tilespmem:s28+$0xFFFFFFC0]  }
0x39: {  	v2 =	vld [tilespmem:s29+$0xFFFFFFC0]  }
0x3a: {  	v3 =	vld [tilespmem:s29+$0xFFFFFFD0]  }
0x3b: {  	v4 =	vld [tilespmem:s28+$0xFFFFFFD0]  }
0x3c: {  	v5 =	vld [tilespmem:s29+$0xFFFFFFE0]  }
0x3d: {  	v6 =	vld [tilespmem:s28+$0xFFFFFFE0]  }
0x3e: {  	v7 =	vld [tilespmem:s29+$0xFFFFFFF0]  }
0x3f: {  	v8 =	vld [tilespmem:s28+$0xFFFFFFF0]  }
0x40: {  	v9 =	vld [tilespmem:s29+$0x0]  }
0x41: {  	v10 =	vld [tilespmem:s28+$0x0]  }
0x42: {  	v11 =	vld [tilespmem:s29+$0x10]  }
.Ltmp0:
0x43: {  	v12 =	vld [tilespmem:s28+$0x10];
	(pc) =	sbr.rel @p0 .LBB2_3-.Ltmp0, $4  }
0x44: {  	v13 =	vld [tilespmem:s29+$0x20]  }
0x45: {  	v14 =	vld [tilespmem:s28+$0x20]  }
0x46: {  	v15 =	vld [tilespmem:s29+$0x30]  }
0x47: {  	s26 =	sadd.s32 $0x1, s26;
	v16 =	vld [tilespmem:s28+$0x30]  }
0x48: {  	_ = 	snop  }
0x49: {  	v1 =	vmul.f32 v1, v2;
	v2 =	vmul.f32 v4, v3  }
0x4a: {  	v3 =	vmul.f32 v6, v5;
	v39 =	vmul.f32 v8, v7  }
0x4b: {  	v40 =	vmul.f32 v10, v9;
	v41 =	vmul.f32 v12, v11  }
0x4c: {  	v42 =	vmul.f32 v14, v13;
	v43 =	vmul.f32 v16, v15  }
0x4d: {  	v1 =	vadd.f32 v2, v1;
	v2 =	vadd.f32 v39, v3  }
0x4e: {  	v3 =	vadd.f32 v41, v40;
	v44 =	vadd.f32 v43, v42  }
0x4f: {  	v45 =	vadd.s32 s25, v0  }
0x50: {  	v1 =	vadd.f32 v2, v1;
	v2 =	vadd.f32 v44, v3;
	_ =	sdelay $0x1  }
0x51: {  	v1 =	vadd.f32 v2, v1;
	_ =	sdelay $0x1  }
0x52: {  	[tilespmem:v45+s17+$0x0] =	vst.idx.msk $0xffff, v1  }
0x53: {  	v1 =	vld [tilespmem:$0x10200]  }
0x54: {  	v2 =	vld [tilespmem:$0x10211]  }
0x55: {  	v3 =	vld [tilespmem:$0x10222]  }
0x56: {  	v46 =	vld [tilespmem:$0x10233]  }
0x57: {  	v5 =	vld [tilespmem:$0x10244]  }
0x58: {  	v47 =	vld [tilespmem:$0x10255]  }
0x59: {  	v48 =	vld [tilespmem:$0x10266]  }
0x5a: {  	v49 =	vld [tilespmem:$0x10277]  }
0x5b: {  	v50 =	vld [tilespmem:$0x10288]  }
0x5c: {  	v51 =	vld [tilespmem:$0x10299]  }
0x5d: {  	v52 =	vld [tilespmem:$0x102AA]  }
0x5e: {  	v53 =	vld [tilespmem:$0x102BB]  }
0x5f: {  	v54 =	vld [tilespmem:$0x102CC]  }
0x60: {  	v55 =	vld [tilespmem:$0x102DD]  }
0x61: {  	v56 =	vld [tilespmem:$0x102EE]  }
0x62: {  	v57 =	vld [tilespmem:$0x102FF];
	_ =	sdelay $0x1  }
0x63: {  	v1 =	vadd.f32 v2, v1;
	v2 =	vadd.f32 v46, v3  }
0x64: {  	v3 =	vadd.f32 v47, v5;
	v58 =	vadd.f32 v49, v48  }
0x65: {  	v59 =	vadd.f32 v51, v50;
	v60 =	vadd.f32 v53, v52  }
0x66: {  	v61 =	vadd.f32 v55, v54;
	v62 =	vadd.f32 v57, v56  }
0x67: {  	v1 =	vadd.f32 v2, v1;
	v2 =	vadd.f32 v58, v3  }
0x68: {  	s31 =	sshll.u32 s24, $0x4;
	s24 =	sadd.s32 $0x1, s24;
	v3 =	vadd.f32 v60, v59;
	v63 =	vadd.f32 v62, v61  }
0x69: {  	p0 =	sne.s32 s24, $0x8  }
.Ltmp1:
0x6a: {  	v1 =	vadd.f32 v2, v1;
	v2 =	vadd.f32 v63, v3;
	(pc) =	sbr.rel @p0 .LBB2_2-.Ltmp1, $4  }
0x6b: {  	_ = 	snop  }
0x6c: {  	v1 =	vadd.f32 v2, v1  }
0x6d: {  	s25 =	sand.u32 $0x3FFFFFF0, s31  }
0x6e: {  	s22 =	sadd.s32 $0x800, s22;
	s23 =	sadd.s32 $0x800, s23;
	[tilespmem:s25+$0x10000] =	vst v1  }
0x6f: {  	s22 =	simm.s32 $0x0  }
0x70: {  	[tilespmem:s22], [sflag:$0x1] =	stream.linear.gather [hbm4b:s7+s22], $0x4000, $0x38;
	[tilespmem:$0x10380] =	vst v63  }
0x71: {  	_ = 	snop  }
0x72: {  	[tilespmem:s13], [sflag:$0x1] =	stream.linear.gather [hbm4b:s8+s22], $0x4000, $0x38;
	[tilespmem:$0x10380] =	vst v63  }
0x73: {  	_ =	swait.ge [sflag:s18], $0x4000  }
0x74: {  	[sflag:s18] =	ssyncset.done $0x0  }
0x75: {  	[sflag:s18] =	ssyncadd.s32 $0xFFFFC000  }
0x76: {  	_ =	swait.ge [sflag:s18], $0x4000  }
0x77: {  	[sflag:s18] =	ssyncset.done $0x0  }
0x78: {  	s23 =	simm.s32 $0x4040;
	s24 =	simm.s32 $0xC040;
	[sflag:s18] =	ssyncadd.s32 $0xFFFFC000  }
.LBB2_6:
0x79: {  	v1 =	vld [tilespmem:s24+$0xFFFFFFC0]  }
0x7a: {  	v2 =	vld [tilespmem:s23+$0xFFFFFFC0]  }
0x7b: {  	v3 =	vld [tilespmem:s23+$0xFFFFFFD0]  }
0x7c: {  	v4 =	vld [tilespmem:s24+$0xFFFFFFD0]  }
0x7d: {  	v5 =	vld [tilespmem:s23+$0xFFFFFFE0]  }
0x7e: {  	v6 =	vld [tilespmem:s24+$0xFFFFFFE0]  }
0x7f: {  	v7 =	vld [tilespmem:s23+$0xFFFFFFF0]  }
0x80: {  	v8 =	vld [tilespmem:s24+$0xFFFFFFF0]  }
0x81: {  	v9 =	vld [tilespmem:s23+$0x0]  }
0x82: {  	v10 =	vld [tilespmem:s24+$0x0]  }
0x83: {  	v11 =	vld [tilespmem:s23+$0x10]  }
0x84: {  	v12 =	vld [tilespmem:s24+$0x10]  }
0x85: {  	v13 =	vld [tilespmem:s23+$0x20]  }
0x86: {  	v14 =	vld [tilespmem:s24+$0x20]  }
0x87: {  	v15 =	vld [tilespmem:s23+$0x30];
	s26 =	simm.s32 $0x1  }
0x88: {  	v16 =	vld [tilespmem:s24+$0x30];
	s25 =	simm.s32 $0x0;
	s28 =	smov.u32 s24;
	s29 =	smov.u32 s23  }
.LBB2_7:
0x89: {  	p0 =	sne.s32 s26, $0xF  }
0x8a: {  	v1 =	vmul.f32 v1, v2;
	v2 =	vmul.f32 v4, v3  }
0x8b: {  	v3 =	vmul.f32 v6, v5;
	v4 =	vmul.f32 v8, v7  }
0x8c: {  	v5 =	vmul.f32 v10, v9;
	v6 =	vmul.f32 v12, v11  }
0x8d: {  	v7 =	vmul.f32 v14, v13;
	v8 =	vmul.f32 v16, v15  }
0x8e: {  	v1 =	vadd.f32 v2, v1;
	v2 =	vadd.f32 v4, v3  }
0x8f: {  	v3 =	vadd.f32 v6, v5;
	v4 =	vadd.f32 v8, v7  }
0x90: {  	v5 =	vadd.s32 s25, v0;
	s25 =	smov.u32 s26  }
0x91: {  	v1 =	vadd.f32 v2, v1;
	v2 =	vadd.f32 v4, v3;
	_ =	sdelay $0x1  }
0x92: {  	v1 =	vadd.f32 v2, v1;
	_ =	sdelay $0x1  }
0x93: {  	s28 =	sadd.s32 $0x80, s28;
	[tilespmem:v5+s17+$0x0] =	vst.idx.msk $0xffff, v1  }
0x94: {  	s29 =	sadd.s32 $0x80, s29;
	v1 =	vld [tilespmem:s28+$0xFFFFFFC0]  }
0x95: {  	v2 =	vld [tilespmem:s29+$0xFFFFFFC0]  }
0x96: {  	v3 =	vld [tilespmem:s29+$0xFFFFFFD0]  }
0x97: {  	v4 =	vld [tilespmem:s28+$0xFFFFFFD0]  }
0x98: {  	v5 =	vld [tilespmem:s29+$0xFFFFFFE0]  }
0x99: {  	v6 =	vld [tilespmem:s28+$0xFFFFFFE0]  }
0x9a: {  	v7 =	vld [tilespmem:s29+$0xFFFFFFF0]  }
0x9b: {  	v8 =	vld [tilespmem:s28+$0xFFFFFFF0]  }
0x9c: {  	v9 =	vld [tilespmem:s29+$0x0]  }
0x9d: {  	v10 =	vld [tilespmem:s28+$0x0]  }
0x9e: {  	v11 =	vld [tilespmem:s29+$0x10]  }
.Ltmp2:
0x9f: {  	v12 =	vld [tilespmem:s28+$0x10];
	(pc) =	sbr.rel @p0 .LBB2_7-.Ltmp2, $4  }
0xa0: {  	v13 =	vld [tilespmem:s29+$0x20]  }
0xa1: {  	v14 =	vld [tilespmem:s28+$0x20]  }
0xa2: {  	v15 =	vld [tilespmem:s29+$0x30]  }
0xa3: {  	s26 =	sadd.s32 $0x1, s26;
	v16 =	vld [tilespmem:s28+$0x30]  }
0xa4: {  	_ = 	snop  }
0xa5: {  	v1 =	vmul.f32 v1, v2;
	v2 =	vmul.f32 v4, v3  }
0xa6: {  	v3 =	vmul.f32 v6, v5;
	v39 =	vmul.f32 v8, v7  }
0xa7: {  	v40 =	vmul.f32 v10, v9;
	v41 =	vmul.f32 v12, v11  }
0xa8: {  	v42 =	vmul.f32 v14, v13;
	v43 =	vmul.f32 v16, v15  }
0xa9: {  	v1 =	vadd.f32 v2, v1;
	v2 =	vadd.f32 v39, v3  }
0xaa: {  	v3 =	vadd.f32 v41, v40;
	v44 =	vadd.f32 v43, v42  }
0xab: {  	v45 =	vadd.s32 s25, v0  }
0xac: {  	v1 =	vadd.f32 v2, v1;
	v2 =	vadd.f32 v44, v3;
	_ =	sdelay $0x1  }
0xad: {  	v1 =	vadd.f32 v2, v1;
	_ =	sdelay $0x1  }
0xae: {  	[tilespmem:v45+s17+$0x0] =	vst.idx.msk $0xffff, v1  }
0xaf: {  	v1 =	vld [tilespmem:$0x10200]  }
0xb0: {  	v2 =	vld [tilespmem:$0x10211]  }
0xb1: {  	v3 =	vld [tilespmem:$0x10222]  }
0xb2: {  	v46 =	vld [tilespmem:$0x10233]  }
0xb3: {  	v5 =	vld [tilespmem:$0x10244]  }
0xb4: {  	v47 =	vld [tilespmem:$0x10255]  }
0xb5: {  	v48 =	vld [tilespmem:$0x10266]  }
0xb6: {  	v49 =	vld [tilespmem:$0x10277]  }
0xb7: {  	v50 =	vld [tilespmem:$0x10288]  }
0xb8: {  	v51 =	vld [tilespmem:$0x10299]  }
0xb9: {  	v52 =	vld [tilespmem:$0x102AA]  }
0xba: {  	v53 =	vld [tilespmem:$0x102BB]  }
0xbb: {  	v54 =	vld [tilespmem:$0x102CC]  }
0xbc: {  	v55 =	vld [tilespmem:$0x102DD]  }
0xbd: {  	v56 =	vld [tilespmem:$0x102EE]  }
0xbe: {  	v57 =	vld [tilespmem:$0x102FF];
	_ =	sdelay $0x1  }
0xbf: {  	v1 =	vadd.f32 v2, v1;
	v2 =	vadd.f32 v46, v3  }
0xc0: {  	v3 =	vadd.f32 v47, v5;
	v58 =	vadd.f32 v49, v48  }
0xc1: {  	v59 =	vadd.f32 v51, v50;
	v60 =	vadd.f32 v53, v52  }
0xc2: {  	v61 =	vadd.f32 v55, v54;
	v62 =	vadd.f32 v57, v56  }
0xc3: {  	v1 =	vadd.f32 v2, v1;
	v2 =	vadd.f32 v58, v3  }
0xc4: {  	s31 =	sshll.u32 s22, $0x4;
	s22 =	sadd.s32 $0x1, s22;
	v3 =	vadd.f32 v60, v59;
	v63 =	vadd.f32 v62, v61  }
0xc5: {  	p0 =	sne.s32 s22, $0x8  }
.Ltmp3:
0xc6: {  	v1 =	vadd.f32 v2, v1;
	v2 =	vadd.f32 v63, v3;
	(pc) =	sbr.rel @p0 .LBB2_6-.Ltmp3, $4  }
0xc7: {  	_ = 	snop  }
0xc8: {  	v1 =	vadd.f32 v2, v1  }
0xc9: {  	s25 =	sand.u32 $0x3FFFFFF0, s31  }
0xca: {  	s23 =	sadd.s32 $0x800, s23;
	s24 =	sadd.s32 $0x800, s24;
	[tilespmem:s25+$0x10080] =	vst v1  }
0xcb: {  	s22 =	simm.s32 $0x0  }
0xcc: {  	[tilespmem:s14], [sflag:$0x2] =	stream.linear.gather [hbm4b:s9+s22], $0x4000, $0x38;
	[tilespmem:$0x10380] =	vst v63  }
0xcd: {  	_ = 	snop  }
0xce: {  	[tilespmem:s15], [sflag:$0x2] =	stream.linear.gather [hbm4b:s10+s22], $0x4000, $0x38;
	[tilespmem:$0x10380] =	vst v63  }
0xcf: {  	_ =	swait.ge [sflag:s16], $0x4000  }
0xd0: {  	[sflag:s16] =	ssyncset.done $0x0  }
0xd1: {  	[sflag:s16] =	ssyncadd.s32 $0xFFFFC000  }
0xd2: {  	_ =	swait.ge [sflag:s16], $0x4000  }
0xd3: {  	[sflag:s16] =	ssyncset.done $0x0  }
0xd4: {  	s23 =	simm.s32 $0x40;
	s24 =	simm.s32 $0x8040;
	[sflag:s16] =	ssyncadd.s32 $0xFFFFC000  }
.LBB2_10:
0xd5: {  	v1 =	vld [tilespmem:s24+$0xFFFFFFC0]  }
0xd6: {  	v2 =	vld [tilespmem:s23+$0xFFFFFFC0]  }
0xd7: {  	v3 =	vld [tilespmem:s23+$0xFFFFFFD0]  }
0xd8: {  	v4 =	vld [tilespmem:s24+$0xFFFFFFD0]  }
0xd9: {  	v5 =	vld [tilespmem:s23+$0xFFFFFFE0]  }
0xda: {  	v6 =	vld [tilespmem:s24+$0xFFFFFFE0]  }
0xdb: {  	v7 =	vld [tilespmem:s23+$0xFFFFFFF0]  }
0xdc: {  	v8 =	vld [tilespmem:s24+$0xFFFFFFF0]  }
0xdd: {  	v9 =	vld [tilespmem:s23+$0x0]  }
0xde: {  	v10 =	vld [tilespmem:s24+$0x0]  }
0xdf: {  	v11 =	vld [tilespmem:s23+$0x10]  }
0xe0: {  	v12 =	vld [tilespmem:s24+$0x10]  }
0xe1: {  	v13 =	vld [tilespmem:s23+$0x20]  }
0xe2: {  	v14 =	vld [tilespmem:s24+$0x20]  }
0xe3: {  	v15 =	vld [tilespmem:s23+$0x30];
	s26 =	simm.s32 $0x1  }
0xe4: {  	v16 =	vld [tilespmem:s24+$0x30];
	s25 =	simm.s32 $0x0;
	s28 =	smov.u32 s24;
	s29 =	smov.u32 s23  }
.LBB2_11:
0xe5: {  	p0 =	sne.s32 s26, $0xF  }
0xe6: {  	v1 =	vmul.f32 v1, v2;
	v2 =	vmul.f32 v4, v3  }
0xe7: {  	v3 =	vmul.f32 v6, v5;
	v4 =	vmul.f32 v8, v7  }
0xe8: {  	v5 =	vmul.f32 v10, v9;
	v6 =	vmul.f32 v12, v11  }
0xe9: {  	v7 =	vmul.f32 v14, v13;
	v8 =	vmul.f32 v16, v15  }
0xea: {  	v1 =	vadd.f32 v2, v1;
	v2 =	vadd.f32 v4, v3  }
0xeb: {  	v3 =	vadd.f32 v6, v5;
	v4 =	vadd.f32 v8, v7  }
0xec: {  	v5 =	vadd.s32 s25, v0;
	s25 =	smov.u32 s26  }
0xed: {  	v1 =	vadd.f32 v2, v1;
	v2 =	vadd.f32 v4, v3;
	_ =	sdelay $0x1  }
0xee: {  	v1 =	vadd.f32 v2, v1;
	_ =	sdelay $0x1  }
0xef: {  	s28 =	sadd.s32 $0x80, s28;
	[tilespmem:v5+s17+$0x0] =	vst.idx.msk $0xffff, v1  }
0xf0: {  	s29 =	sadd.s32 $0x80, s29;
	v1 =	vld [tilespmem:s28+$0xFFFFFFC0]  }
0xf1: {  	v2 =	vld [tilespmem:s29+$0xFFFFFFC0]  }
0xf2: {  	v3 =	vld [tilespmem:s29+$0xFFFFFFD0]  }
0xf3: {  	v4 =	vld [tilespmem:s28+$0xFFFFFFD0]  }
0xf4: {  	v5 =	vld [tilespmem:s29+$0xFFFFFFE0]  }
0xf5: {  	v6 =	vld [tilespmem:s28+$0xFFFFFFE0]  }
0xf6: {  	v7 =	vld [tilespmem:s29+$0xFFFFFFF0]  }
0xf7: {  	v8 =	vld [tilespmem:s28+$0xFFFFFFF0]  }
0xf8: {  	v9 =	vld [tilespmem:s29+$0x0]  }
0xf9: {  	v10 =	vld [tilespmem:s28+$0x0]  }
0xfa: {  	v11 =	vld [tilespmem:s29+$0x10]  }
.Ltmp4:
0xfb: {  	v12 =	vld [tilespmem:s28+$0x10];
	(pc) =	sbr.rel @p0 .LBB2_11-.Ltmp4, $4  }
0xfc: {  	v13 =	vld [tilespmem:s29+$0x20]  }
0xfd: {  	v14 =	vld [tilespmem:s28+$0x20]  }
0xfe: {  	v15 =	vld [tilespmem:s29+$0x30]  }
0xff: {  	s26 =	sadd.s32 $0x1, s26;
	v16 =	vld [tilespmem:s28+$0x30]  }
0x100: {  	_ = 	snop  }
0x101: {  	v1 =	vmul.f32 v1, v2;
	v2 =	vmul.f32 v4, v3  }
0x102: {  	v3 =	vmul.f32 v6, v5;
	v39 =	vmul.f32 v8, v7  }
0x103: {  	v40 =	vmul.f32 v10, v9;
	v41 =	vmul.f32 v12, v11  }
0x104: {  	v42 =	vmul.f32 v14, v13;
	v43 =	vmul.f32 v16, v15  }
0x105: {  	v1 =	vadd.f32 v2, v1;
	v2 =	vadd.f32 v39, v3  }
0x106: {  	v3 =	vadd.f32 v41, v40;
	v44 =	vadd.f32 v43, v42  }
0x107: {  	v45 =	vadd.s32 s25, v0  }
0x108: {  	v1 =	vadd.f32 v2, v1;
	v2 =	vadd.f32 v44, v3;
	_ =	sdelay $0x1  }
0x109: {  	v1 =	vadd.f32 v2, v1;
	_ =	sdelay $0x1  }
0x10a: {  	[tilespmem:v45+s17+$0x0] =	vst.idx.msk $0xffff, v1  }
0x10b: {  	v1 =	vld [tilespmem:$0x10200]  }
0x10c: {  	v2 =	vld [tilespmem:$0x10211]  }
0x10d: {  	v3 =	vld [tilespmem:$0x10222]  }
0x10e: {  	v46 =	vld [tilespmem:$0x10233]  }
0x10f: {  	v5 =	vld [tilespmem:$0x10244]  }
0x110: {  	v47 =	vld [tilespmem:$0x10255]  }
0x111: {  	v48 =	vld [tilespmem:$0x10266]  }
0x112: {  	v49 =	vld [tilespmem:$0x10277]  }
0x113: {  	v50 =	vld [tilespmem:$0x10288]  }
0x114: {  	v51 =	vld [tilespmem:$0x10299]  }
0x115: {  	v52 =	vld [tilespmem:$0x102AA]  }
0x116: {  	v53 =	vld [tilespmem:$0x102BB]  }
0x117: {  	v54 =	vld [tilespmem:$0x102CC]  }
0x118: {  	v55 =	vld [tilespmem:$0x102DD]  }
0x119: {  	v56 =	vld [tilespmem:$0x102EE]  }
0x11a: {  	v57 =	vld [tilespmem:$0x102FF];
	_ =	sdelay $0x1  }
0x11b: {  	v1 =	vadd.f32 v2, v1;
	v2 =	vadd.f32 v46, v3  }
0x11c: {  	v3 =	vadd.f32 v47, v5;
	v58 =	vadd.f32 v49, v48  }
0x11d: {  	v59 =	vadd.f32 v51, v50;
	v60 =	vadd.f32 v53, v52  }
0x11e: {  	v61 =	vadd.f32 v55, v54;
	v62 =	vadd.f32 v57, v56  }
0x11f: {  	v1 =	vadd.f32 v2, v1;
	v2 =	vadd.f32 v58, v3  }
0x120: {  	s31 =	sshll.u32 s22, $0x4;
	s22 =	sadd.s32 $0x1, s22;
	v3 =	vadd.f32 v60, v59;
	v63 =	vadd.f32 v62, v61  }
0x121: {  	p0 =	sne.s32 s22, $0x8  }
.Ltmp5:
0x122: {  	v1 =	vadd.f32 v2, v1;
	v2 =	vadd.f32 v63, v3;
	(pc) =	sbr.rel @p0 .LBB2_10-.Ltmp5, $4  }
0x123: {  	_ = 	snop  }
0x124: {  	v1 =	vadd.f32 v2, v1  }
0x125: {  	s25 =	sand.u32 $0x3FFFFFF0, s31  }
0x126: {  	s23 =	sadd.s32 $0x800, s23;
	s24 =	sadd.s32 $0x800, s24;
	[tilespmem:s25+$0x10100] =	vst v1  }
0x127: {  	_ =	swait.ge [sflag:s18], $0x4000  }
0x128: {  	[sflag:s18] =	ssyncset.done $0x0  }
0x129: {  	[sflag:s18] =	ssyncadd.s32 $0xFFFFC000  }
0x12a: {  	_ =	swait.ge [sflag:s18], $0x4000  }
0x12b: {  	s22 =	simm.s32 $0x0;
	[sflag:s18] =	ssyncset.done $0x0  }
0x12c: {  	s23 =	simm.s32 $0x4040;
	s24 =	simm.s32 $0xC040;
	[sflag:s18] =	ssyncadd.s32 $0xFFFFC000  }
.LBB2_14:
0x12d: {  	v1 =	vld [tilespmem:s24+$0xFFFFFFC0]  }
0x12e: {  	v2 =	vld [tilespmem:s23+$0xFFFFFFC0]  }
0x12f: {  	v3 =	vld [tilespmem:s23+$0xFFFFFFD0]  }
0x130: {  	v4 =	vld [tilespmem:s24+$0xFFFFFFD0]  }
0x131: {  	v5 =	vld [tilespmem:s23+$0xFFFFFFE0]  }
0x132: {  	v6 =	vld [tilespmem:s24+$0xFFFFFFE0]  }
0x133: {  	v7 =	vld [tilespmem:s23+$0xFFFFFFF0]  }
0x134: {  	v8 =	vld [tilespmem:s24+$0xFFFFFFF0]  }
0x135: {  	v9 =	vld [tilespmem:s23+$0x0]  }
0x136: {  	v10 =	vld [tilespmem:s24+$0x0]  }
0x137: {  	v11 =	vld [tilespmem:s23+$0x10]  }
0x138: {  	v12 =	vld [tilespmem:s24+$0x10]  }
0x139: {  	v13 =	vld [tilespmem:s23+$0x20]  }
0x13a: {  	v14 =	vld [tilespmem:s24+$0x20]  }
0x13b: {  	v15 =	vld [tilespmem:s23+$0x30];
	s26 =	simm.s32 $0x1  }
0x13c: {  	v16 =	vld [tilespmem:s24+$0x30];
	s25 =	simm.s32 $0x0;
	s28 =	smov.u32 s24;
	s29 =	smov.u32 s23  }
.LBB2_15:
0x13d: {  	p0 =	sne.s32 s26, $0xF  }
0x13e: {  	v1 =	vmul.f32 v1, v2;
	v2 =	vmul.f32 v4, v3  }
0x13f: {  	v3 =	vmul.f32 v6, v5;
	v4 =	vmul.f32 v8, v7  }
0x140: {  	v5 =	vmul.f32 v10, v9;
	v6 =	vmul.f32 v12, v11  }
0x141: {  	v7 =	vmul.f32 v14, v13;
	v8 =	vmul.f32 v16, v15  }
0x142: {  	v1 =	vadd.f32 v2, v1;
	v2 =	vadd.f32 v4, v3  }
0x143: {  	v3 =	vadd.f32 v6, v5;
	v4 =	vadd.f32 v8, v7  }
0x144: {  	v5 =	vadd.s32 s25, v0;
	s25 =	smov.u32 s26  }
0x145: {  	v1 =	vadd.f32 v2, v1;
	v2 =	vadd.f32 v4, v3;
	_ =	sdelay $0x1  }
0x146: {  	v1 =	vadd.f32 v2, v1;
	_ =	sdelay $0x1  }
0x147: {  	s28 =	sadd.s32 $0x80, s28;
	[tilespmem:v5+s17+$0x0] =	vst.idx.msk $0xffff, v1  }
0x148: {  	s29 =	sadd.s32 $0x80, s29;
	v1 =	vld [tilespmem:s28+$0xFFFFFFC0]  }
0x149: {  	v2 =	vld [tilespmem:s29+$0xFFFFFFC0]  }
0x14a: {  	v3 =	vld [tilespmem:s29+$0xFFFFFFD0]  }
0x14b: {  	v4 =	vld [tilespmem:s28+$0xFFFFFFD0]  }
0x14c: {  	v5 =	vld [tilespmem:s29+$0xFFFFFFE0]  }
0x14d: {  	v6 =	vld [tilespmem:s28+$0xFFFFFFE0]  }
0x14e: {  	v7 =	vld [tilespmem:s29+$0xFFFFFFF0]  }
0x14f: {  	v8 =	vld [tilespmem:s28+$0xFFFFFFF0]  }
0x150: {  	v9 =	vld [tilespmem:s29+$0x0]  }
0x151: {  	v10 =	vld [tilespmem:s28+$0x0]  }
0x152: {  	v11 =	vld [tilespmem:s29+$0x10]  }
.Ltmp6:
0x153: {  	v12 =	vld [tilespmem:s28+$0x10];
	(pc) =	sbr.rel @p0 .LBB2_15-.Ltmp6, $4  }
0x154: {  	v13 =	vld [tilespmem:s29+$0x20]  }
0x155: {  	v14 =	vld [tilespmem:s28+$0x20]  }
0x156: {  	v15 =	vld [tilespmem:s29+$0x30]  }
0x157: {  	s26 =	sadd.s32 $0x1, s26;
	v16 =	vld [tilespmem:s28+$0x30]  }
0x158: {  	_ = 	snop  }
0x159: {  	v1 =	vmul.f32 v1, v2;
	v2 =	vmul.f32 v4, v3  }
0x15a: {  	v3 =	vmul.f32 v6, v5;
	v39 =	vmul.f32 v8, v7  }
0x15b: {  	v40 =	vmul.f32 v10, v9;
	v41 =	vmul.f32 v12, v11  }
0x15c: {  	v42 =	vmul.f32 v14, v13;
	v43 =	vmul.f32 v16, v15  }
0x15d: {  	v1 =	vadd.f32 v2, v1;
	v2 =	vadd.f32 v39, v3  }
0x15e: {  	v3 =	vadd.f32 v41, v40;
	v44 =	vadd.f32 v43, v42  }
0x15f: {  	v45 =	vadd.s32 s25, v0  }
0x160: {  	v1 =	vadd.f32 v2, v1;
	v2 =	vadd.f32 v44, v3;
	_ =	sdelay $0x1  }
0x161: {  	v1 =	vadd.f32 v2, v1;
	_ =	sdelay $0x1  }
0x162: {  	[tilespmem:v45+s17+$0x0] =	vst.idx.msk $0xffff, v1  }
0x163: {  	v1 =	vld [tilespmem:$0x10200]  }
0x164: {  	v2 =	vld [tilespmem:$0x10211]  }
0x165: {  	v3 =	vld [tilespmem:$0x10222]  }
0x166: {  	v46 =	vld [tilespmem:$0x10233]  }
0x167: {  	v5 =	vld [tilespmem:$0x10244]  }
0x168: {  	v47 =	vld [tilespmem:$0x10255]  }
0x169: {  	v48 =	vld [tilespmem:$0x10266]  }
0x16a: {  	v49 =	vld [tilespmem:$0x10277]  }
0x16b: {  	v50 =	vld [tilespmem:$0x10288]  }
0x16c: {  	v51 =	vld [tilespmem:$0x10299]  }
0x16d: {  	v52 =	vld [tilespmem:$0x102AA]  }
0x16e: {  	v53 =	vld [tilespmem:$0x102BB]  }
0x16f: {  	v54 =	vld [tilespmem:$0x102CC]  }
0x170: {  	v55 =	vld [tilespmem:$0x102DD]  }
0x171: {  	v56 =	vld [tilespmem:$0x102EE]  }
0x172: {  	v57 =	vld [tilespmem:$0x102FF];
	_ =	sdelay $0x1  }
0x173: {  	v1 =	vadd.f32 v2, v1;
	v2 =	vadd.f32 v46, v3  }
0x174: {  	v3 =	vadd.f32 v47, v5;
	v58 =	vadd.f32 v49, v48  }
0x175: {  	v59 =	vadd.f32 v51, v50;
	v60 =	vadd.f32 v53, v52  }
0x176: {  	v61 =	vadd.f32 v55, v54;
	v62 =	vadd.f32 v57, v56  }
0x177: {  	v1 =	vadd.f32 v2, v1;
	v2 =	vadd.f32 v58, v3  }
0x178: {  	s31 =	sshll.u32 s22, $0x4;
	s22 =	sadd.s32 $0x1, s22;
	v3 =	vadd.f32 v60, v59;
	v63 =	vadd.f32 v62, v61  }
0x179: {  	p0 =	sne.s32 s22, $0x8  }
.Ltmp7:
0x17a: {  	v1 =	vadd.f32 v2, v1;
	v2 =	vadd.f32 v63, v3;
	(pc) =	sbr.rel @p0 .LBB2_14-.Ltmp7, $4  }
0x17b: {  	_ = 	snop  }
0x17c: {  	v1 =	vadd.f32 v2, v1  }
0x17d: {  	s25 =	sand.u32 $0x3FFFFFF0, s31  }
0x17e: {  	s23 =	sadd.s32 $0x800, s23;
	s24 =	sadd.s32 $0x800, s24;
	[tilespmem:s25+$0x10180] =	vst v1  }
0x17f: {  	s21 =	sadd.s32 $0x1, s21  }
0x180: {  	p0 =	sne.s32 s21, s12  }
.Ltmp8:
0x181: {  	_ = 	snop;
	(pc) =	sbr.rel @p0 .LBB2_1-.Ltmp8, $4  }
0x182: {  	[hbm4b:s11+s2] =	stream.linear.scatter [tilespmem:s19], [sflag:$0x3], $0x200, $0x38;
	[tilespmem:$0x10380] =	vst v63  }
0x183: {  	_ =	swait.ge [sflag:s20], $0x200  }
0x184: {  	[sflag:s20] =	ssyncset.done $0x0  }
0x185: {  	[sflag:s20] =	ssyncadd.s32 $0xFFFFFE00  }
0x186: {  	_ =	sfence.sel $0x180000  }
0x187: {  	[bflag:$0x0] =	sbarrier.arrive $0xFFFF  }
0x188: {  	p0 =	sne.s32 s1, $0x0;
	_ =	strace $0x90000047  }
0x189: {  	s0 =	sadd.s32 @!p0 $0x100000, s0;
	[bflag:$0x2] =	sbarrier.arrive $0xFFFF  }
0x18a: {  	[sflag:s0] =	ssyncadd.tile.s32 @!p0 $0x1;
	_ =	shalt  }
.Lfunc_end2:
_tile_overlayer_lowered:
.L_overlay_start_2:
0x18b: {  	(tag) =	ssettag $0x2  }
0x18c: {  	s0 =	rddreg [dreg:$0x0];
	s2 =	stileid.u32  }
0x18d: {  	s1 =	rddreg [dreg:$0x1];
	p0 =	sne.s32 s2, $0x0  }
0x18e: {  	s3 =	rddreg [dreg:$0x2];
	[bflag:$0x3] =	sbarrier.arrive $0xFFFF;
	s2 =	simm.s32 @!p0 $0x1C03  }
0x18f: {  	[timem:s3], [sflag:s2] =	dma.local @!p0 [hbm:s0], s1  }
0x190: {  	s0 =	simm.s32 @!p0 $0x3  }
0x191: {  	_ =	swait.ge @!p0 [sflag:s0], s1  }
0x192: {  	s1 =	ssub.s32 @!p0 $0x0, s1;
	[sflag:s0] =	ssyncset.done @!p0 $0x0  }
0x193: {  	[sflag:s0] =	ssyncadd.s32 @!p0 s1  }
0x194: {  	[bflag:$0x3] =	sbarrier.arrive $0xFFFF  }
0x195: {  	_ =	shalt  }

</sc_bundles>
